<compile_context>
chip_gen: v7x
topology: tpu7x:2x2x1
jax: 0.10.2.dev20260603
libtpu: 0.0.44.dev20260713+nightly
codegen_flags: <defaults>
</compile_context>

<pallas_src>
import functools

import jax
import jax.numpy as jnp
from jax import lax
from jax.experimental import pallas as pl
from jax.experimental.pallas import tpu as pltpu
from jax.experimental.pallas import tpu_sc as plsc

N = 10000
E = 320000
D = 128
H = 128
G = 64
C = 5

NC = 2
NS = 16
NW = NC * NS

CHUNK = 128
CPT = 80
EPT = CPT * CHUNK
EPAD = NW * EPT

AGG_ROWS = 10112
RPT = AGG_ROWS // NS
SPT = N // NS

_MESH = plsc.VectorSubcoreMesh(core_axis_name="c", subcore_axis_name="s")

ROW_BLK = 1000
NBLK = N // ROW_BLK


CW = 16


@functools.partial(
    pl.kernel,
    out_type=jax.ShapeDtypeStruct((NC, AGG_ROWS, CW), jnp.float32),
    mesh=_MESH,
    scratch_types=[
        pltpu.VMEM((CPT, CHUNK), jnp.int32),
        pltpu.VMEM((CHUNK, CW), jnp.float32),
        pltpu.VMEM((CHUNK, CW), jnp.float32),
        pltpu.VMEM_SHARED((AGG_ROWS, CW), jnp.float32),
    ],
    compiler_params=pltpu.CompilerParams(use_tc_tiling_on_sc=False),
)
def _sc_hist(col_hbm, deg_out, colv, onesv, zerov, ctab):
    cid = lax.axis_index("c")
    sid = lax.axis_index("s")
    wid = cid * NS + sid

    pltpu.sync_copy(col_hbm.at[wid], colv)

    zeros16 = jnp.zeros((16,), jnp.float32)
    ones16 = jnp.ones((16,), jnp.float32)

    def _fill(t, carry):
        onesv[t, :] = ones16
        zerov[t, :] = zeros16
        return carry

    lax.fori_loop(0, CHUNK, _fill, 0)

    base = sid * RPT
    for t in range(4):
        pltpu.sync_copy(zerov, ctab.at[pl.ds(base + t * CHUNK, CHUNK)])
    pltpu.sync_copy(zerov.at[pl.ds(0, RPT - 4 * CHUNK)],
                    ctab.at[pl.ds(base + 4 * CHUNK, RPT - 4 * CHUNK)])
    plsc.subcore_barrier()

    def _count(j, carry):
        pltpu.sync_copy(onesv, ctab.at[colv.at[j]], add=True)
        return carry

    lax.fori_loop(0, CPT, _count, 0)
    plsc.subcore_barrier()

    pltpu.sync_copy(ctab.at[pl.ds(base, RPT)],
                    deg_out.at[cid, pl.ds(base, RPT)])


def _mm_body(x_ref, w_ref, d0_ref, d1_ref, out_ref):
    dinv = lax.rsqrt(d0_ref[...] + d1_ref[...] + 1.0)
    hp = jnp.dot(x_ref[...], w_ref[...],
                 preferred_element_type=jnp.float32) * dinv
    out_ref[...] = hp.astype(jnp.bfloat16)


def _mm(x, W1, deg0, deg1):
    return pl.pallas_call(
        _mm_body,
        grid=(NBLK,),
        in_specs=[
            pl.BlockSpec((ROW_BLK, D), lambda i: (i, 0)),
            pl.BlockSpec((D, H), lambda i: (0, 0)),
            pl.BlockSpec((ROW_BLK, 1), lambda i: (i, 0)),
            pl.BlockSpec((ROW_BLK, 1), lambda i: (i, 0)),
        ],
        out_specs=pl.BlockSpec((ROW_BLK, H), lambda i: (i, 0)),
        out_shape=jax.ShapeDtypeStruct((N, H), jnp.bfloat16),
    )(x, W1, deg0, deg1)


IH = CPT // 2


@functools.partial(
    pl.kernel,
    out_type=jax.ShapeDtypeStruct((NC, AGG_ROWS, H), jnp.bfloat16),
    mesh=_MESH,
    scratch_types=[
        pltpu.VMEM((IH, CHUNK), jnp.int32),
        pltpu.VMEM((IH, CHUNK), jnp.int32),
        pltpu.VMEM((CHUNK, H), jnp.bfloat16),
        pltpu.VMEM((CHUNK, H), jnp.bfloat16),
        pltpu.VMEM_SHARED((N, H), jnp.bfloat16),
        pltpu.VMEM_SHARED((AGG_ROWS, H), jnp.bfloat16),
        pltpu.SemaphoreType.DMA,
        pltpu.SemaphoreType.DMA,
    ],
    compiler_params=pltpu.CompilerParams(use_tc_tiling_on_sc=False),
)
def _sc_agg(hp_hbm, row_hbm, col_hbm, agg_out,
            rowv, colv, buf0, buf1, stab, sacc, sem0, sem1):
    cid = lax.axis_index("c")
    sid = lax.axis_index("s")
    wid = cid * NS + sid

    pltpu.sync_copy(hp_hbm.at[pl.ds(sid * SPT, SPT)],
                    stab.at[pl.ds(sid * SPT, SPT)])

    zeros32 = jnp.zeros((32,), jnp.bfloat16)

    def _zero(t, carry):
        buf0[t >> 2, pl.ds((t & 3) * 32, 32)] = zeros32
        return carry

    lax.fori_loop(0, CHUNK * 4, _zero, 0)

    base = sid * RPT
    for t in range(4):
        pltpu.sync_copy(buf0, sacc.at[pl.ds(base + t * CHUNK, CHUNK)])
    pltpu.sync_copy(buf0.at[pl.ds(0, RPT - 4 * CHUNK)],
                    sacc.at[pl.ds(base + 4 * CHUNK, RPT - 4 * CHUNK)])
    plsc.subcore_barrier()

    for ihalf in range(2):
        off = ihalf * IH
        pltpu.sync_copy(row_hbm.at[wid, pl.ds(off, IH)], rowv)
        pltpu.sync_copy(col_hbm.at[wid, pl.ds(off, IH)], colv)

        pltpu.async_copy(stab.at[rowv.at[0]], buf0, sem0)
        pltpu.async_copy(stab.at[rowv.at[1]], buf1, sem1)

        def _step(jj, carry):
            j = jj * 2
            pltpu.make_async_copy(stab.at[rowv.at[j]], buf0, sem0).wait()
            pltpu.sync_copy(buf0, sacc.at[colv.at[j]], add=True)
            pltpu.async_copy(stab.at[rowv.at[j + 2]], buf0, sem0)
            pltpu.make_async_copy(
                stab.at[rowv.at[j + 1]], buf1, sem1).wait()
            pltpu.sync_copy(buf1, sacc.at[colv.at[j + 1]], add=True)
            pltpu.async_copy(stab.at[rowv.at[j + 3]], buf1, sem1)
            return carry

        lax.fori_loop(0, IH // 2 - 2, _step, 0)

        for j in (IH - 4, IH - 3):
            buf, sem = (buf0, sem0) if j % 2 == 0 else (buf1, sem1)
            pltpu.make_async_copy(stab.at[rowv.at[j]], buf, sem).wait()
            pltpu.sync_copy(buf, sacc.at[colv.at[j]], add=True)
            pltpu.async_copy(stab.at[rowv.at[j + 2]], buf, sem)
        for j in (IH - 2, IH - 1):
            buf, sem = (buf0, sem0) if j % 2 == 0 else (buf1, sem1)
            pltpu.make_async_copy(stab.at[rowv.at[j]], buf, sem).wait()
            pltpu.sync_copy(buf, sacc.at[colv.at[j]], add=True)

    plsc.subcore_barrier()
    pltpu.sync_copy(sacc.at[pl.ds(sid * RPT, RPT)],
                    agg_out.at[cid, pl.ds(sid * RPT, RPT)])


def _epi_body(p0_ref, p1_ref, hp_ref, d0_ref, d1_ref, b_ref, b1_ref,
              w2_ref, b2_ref, out_ref, sums, counts):
    i = pl.program_id(0)
    dinv = lax.rsqrt(d0_ref[...] + d1_ref[...] + 1.0)
    p0 = jnp.reshape(p0_ref[...], (ROW_BLK, H)).astype(jnp.float32)
    p1 = jnp.reshape(p1_ref[...], (ROW_BLK, H)).astype(jnp.float32)
    hp = hp_ref[...].astype(jnp.float32)
    agg = (p0 + p1 + hp) * dinv + b1_ref[...]
    h2 = jnp.maximum(agg, 0.0)
    bm = jnp.reshape(b_ref[...], (1, ROW_BLK))
    seg = lax.broadcasted_iota(jnp.int32, (G, ROW_BLK), 0)
    M = (bm == seg).astype(jnp.float32)
    part = jnp.dot(M, h2, preferred_element_type=jnp.float32)
    cpart = jnp.dot(M, jnp.ones((ROW_BLK, H), jnp.float32),
                    preferred_element_type=jnp.float32)

    @pl.when(i == 0)
    def _():
        sums[...] = part
        counts[...] = cpart

    @pl.when(i > 0)
    def _():
        sums[...] += part
        counts[...] += cpart

    @pl.when(i == NBLK - 1)
    def _():
        pooled = sums[...] / jnp.maximum(counts[...], 1.0)
        logits = jnp.dot(pooled, w2_ref[...],
                         preferred_element_type=jnp.float32) + b2_ref[...]
        m = jnp.max(logits, axis=1, keepdims=True)
        lse = jnp.log(jnp.sum(jnp.exp(logits - m), axis=1, keepdims=True))
        out_ref[...] = logits - m - lse


def _epi(aggp, hp, deg0, deg1, batch3, b1r, W2p, b2p):
    return pl.pallas_call(
        _epi_body,
        grid=(NBLK,),
        in_specs=[
            pl.BlockSpec((1, ROW_BLK, H), lambda i: (0, i, 0)),
            pl.BlockSpec((1, ROW_BLK, H), lambda i: (1, i, 0)),
            pl.BlockSpec((ROW_BLK, H), lambda i: (i, 0)),
            pl.BlockSpec((ROW_BLK, 1), lambda i: (i, 0)),
            pl.BlockSpec((ROW_BLK, 1), lambda i: (i, 0)),
            pl.BlockSpec((1, 1, ROW_BLK), lambda i: (i, 0, 0)),
            pl.BlockSpec((1, H), lambda i: (0, 0)),
            pl.BlockSpec((H, 128), lambda i: (0, 0)),
            pl.BlockSpec((1, 128), lambda i: (0, 0)),
        ],
        out_specs=pl.BlockSpec((G, 128), lambda i: (0, 0)),
        out_shape=jax.ShapeDtypeStruct((G, 128), jnp.float32),
        scratch_shapes=[
            pltpu.VMEM((G, 128), jnp.float32),
            pltpu.VMEM((G, 128), jnp.float32),
        ],
    )(aggp, aggp, hp, deg0, deg1, batch3, b1r, W2p, b2p)


def kernel(x, edge_index, batch, W1, b1, W2, b2):
    row = edge_index[0]
    col = edge_index[1]
    pad = EPAD - E
    row_p = jnp.concatenate(
        [row, jnp.zeros((pad,), jnp.int32)]).reshape(NW, CPT, CHUNK)
    col_p = jnp.concatenate(
        [col, jnp.full((pad,), N, jnp.int32)]).reshape(NW, CPT, CHUNK)

    degp = _sc_hist(col_p)
    deg0 = degp[0, :N, 0].reshape(N, 1)
    deg1 = degp[1, :N, 0].reshape(N, 1)

    hp = _mm(x, W1, deg0, deg1)

    aggp = _sc_agg(hp, row_p, col_p)

    batch3 = batch.reshape(NBLK, 1, ROW_BLK)
    b1r = b1.reshape(1, H)
    W2p = jnp.pad(W2, ((0, 0), (0, 128 - C)))
    b2p = jnp.concatenate(
        [b2, jnp.full((128 - C,), -1e30, jnp.float32)]).reshape(1, 128)

    outp = _epi(aggp, hp, deg0, deg1, batch3, b1r, W2p, b2p)
    return outp[:, :C]

# --- scband reference (transcript-rebuilt; emitter-appended) ---
"""Pipeline reference for scband-gcn-43722767073906 (READ-ONLY COPY).

The authoritative reference and input builder live on the scoring server;
editing this copy changes nothing except your own understanding.
"""

import jax, jax.numpy as jnp
import numpy as np

N = 10000   # n_nodes
E = 320000  # n_edges
D = 128     # in features (train_dataset[0].num_features, assumed 128)
H = 128     # hidden_channels
C = 5       # output classes
G = 64      # number of graphs in the batch


def setup_inputs(seed: int = 0) -> dict:
    key = jax.random.key(seed)
    ks = jax.random.split(key, 8)
    x = jax.random.normal(ks[0], (N, D), dtype=jnp.float32)
    edge_index = jax.random.randint(ks[1], (2, E), 0, N, dtype=jnp.int32)
    batch = jnp.sort(jax.random.randint(ks[2], (N,), 0, G, dtype=jnp.int32))
    # GCNConv weight/bias
    W1 = jax.random.normal(ks[3], (D, H), dtype=jnp.float32) * (1.0 / np.sqrt(D))
    b1 = jnp.zeros((H,), dtype=jnp.float32)
    # Final Linear(hidden_channels, 5)
    W2 = jax.random.normal(ks[4], (H, C), dtype=jnp.float32) * (1.0 / np.sqrt(H))
    b2 = jnp.zeros((C,), dtype=jnp.float32)
    return {"x": x, "edge_index": edge_index, "batch": batch,
            "W1": W1, "b1": b1, "W2": W2, "b2": b2}


def reference(x, edge_index, batch, W1, b1, W2, b2):
    n = x.shape[0]
    row = edge_index[0]
    col = edge_index[1]
    # GCNConv: add self-loops
    loop = jnp.arange(n, dtype=row.dtype)
    row = jnp.concatenate([row, loop])
    col = jnp.concatenate([col, loop])
    ew = jnp.ones(row.shape, dtype=x.dtype)
    # symmetric normalization D^{-1/2} (A+I) D^{-1/2}
    deg = jax.ops.segment_sum(ew, col, num_segments=n)
    deg_inv_sqrt = jnp.where(deg > 0, jax.lax.rsqrt(jnp.maximum(deg, 1e-12)), 0.0)
    norm = deg_inv_sqrt[row] * deg_inv_sqrt[col]
    # linear transform then gather-message-scatter-add
    h = x @ W1
    msg = h[row] * norm[:, None]
    agg = jax.ops.segment_sum(msg, col, num_segments=n) + b1
    h = jax.nn.relu(agg)
    # global_mean_pool over batch segment ids
    sums = jax.ops.segment_sum(h, batch, num_segments=G)
    counts = jax.ops.segment_sum(jnp.ones((n,), dtype=x.dtype), batch, num_segments=G)
    pooled = sums / jnp.maximum(counts, 1.0)[:, None]
    # dropout is identity in eval mode (training=False)
    logits = pooled @ W2 + b2
    return jax.nn.log_softmax(logits, axis=1)

if __name__ == "__main__":
    import jax
    _d = setup_inputs()
    print(jax.jit(kernel)(*tuple(_d.values())))

</pallas_src>

<mosaic_0001>
#map = affine_map<(d0, d1) -> (0, 0)>
#map1 = affine_map<(d0, d1) -> (0, 0, 0)>
module attributes {stable_mosaic.version = 14 : i64} {
  func.func @_sc_agg(%arg0: i32, %arg1: i32, %arg2: memref<10000x128xbf16, #tpu.memory_space<hbm>>, %arg3: memref<32x80x128xi32, #tpu.memory_space<hbm>>, %arg4: memref<32x80x128xi32, #tpu.memory_space<hbm>>, %arg5: memref<2x10112x128xbf16, #tpu.memory_space<hbm>>, %arg6: memref<40x128xi32, #tpu.memory_space<vmem>>, %arg7: memref<40x128xi32, #tpu.memory_space<vmem>>, %arg8: memref<128x128xbf16, #tpu.memory_space<vmem>>, %arg9: memref<128x128xbf16, #tpu.memory_space<vmem>>, %arg10: memref<10000x128xbf16, #tpu.memory_space<vmem_shared>>, %arg11: memref<10112x128xbf16, #tpu.memory_space<vmem_shared>>, %arg12: memref<!tpu.dma_semaphore, #tpu.memory_space<semaphore_mem>>, %arg13: memref<!tpu.dma_semaphore, #tpu.memory_space<semaphore_mem>>) attributes {dimension_semantics = [#tpu.dimension_semantics<core_parallel>, #tpu.dimension_semantics<subcore_parallel>], iteration_bounds = array<i64: 2, 16>, scalar_prefetch = 0 : i64, scratch_operands = 8 : i64, tpu.core_type = #tpu.core_type<sc_vector_subcore>, window_params = [{transform_indices = #map}, {transform_indices = #map1}, {transform_indices = #map1}, {transform_indices = #map1}]} {
    %mul3A = arith.constant 16 : i32
    %mul3A_0 = arith.muli %arg0, %mul3A : i32
    %add3A = arith.addi %mul3A_0, %arg1 : i32
    %mul3A_1 = arith.constant 625 : i32
    %mul3A_2 = arith.muli %arg1, %mul3A_1 : i32
    %mul3A_3 = arith.constant 625 : i32
    %mul3A_4 = arith.muli %arg1, %mul3A_3 : i32
    "tpu.region"() ({
      %run_scoped3A_157 = tpu.sem_alloc : memref<!tpu.dma_semaphore, #tpu.memory_space<semaphore_mem>>
      %dma_start3A_158 = arith.constant 0 : i32
      %dma_start3A_159 = tpu.memref_slice %arg10[%mul3A_4, %dma_start3A_158] : memref<10000x128xbf16, #tpu.memory_space<vmem_shared>> -> memref<625x128xbf16, #tpu.memory_space<vmem_shared>>
      %dma_start3A_160 = arith.constant 0 : i32
      %dma_start3A_161 = tpu.memref_slice %arg2[%mul3A_2, %dma_start3A_160] : memref<10000x128xbf16, #tpu.memory_space<hbm>> -> memref<625x128xbf16, #tpu.memory_space<hbm>>
      tpu.enqueue_dma source(%dma_start3A_161 : memref<625x128xbf16, #tpu.memory_space<hbm>>) target(%dma_start3A_159 : memref<625x128xbf16, #tpu.memory_space<vmem_shared>>) target_semaphore(%run_scoped3A_157 : memref<!tpu.dma_semaphore, #tpu.memory_space<semaphore_mem>>)
      %dma_wait3A_162 = arith.constant 0 : i32
      %dma_wait3A_163 = tpu.memref_slice %arg10[%mul3A_4, %dma_wait3A_162] : memref<10000x128xbf16, #tpu.memory_space<vmem_shared>> -> memref<625x128xbf16, #tpu.memory_space<vmem_shared>>
      %dma_wait3A_164 = arith.constant 0 : i32
      %dma_wait3A_165 = tpu.memref_slice %arg2[%mul3A_2, %dma_wait3A_164] : memref<10000x128xbf16, #tpu.memory_space<hbm>> -> memref<625x128xbf16, #tpu.memory_space<hbm>>
      tpu.wait_dma2 semaphore(%run_scoped3A_157 : memref<!tpu.dma_semaphore, #tpu.memory_space<semaphore_mem>>) src(%dma_wait3A_165 : memref<625x128xbf16, #tpu.memory_space<hbm>>) dst(%dma_wait3A_163 : memref<625x128xbf16, #tpu.memory_space<vmem_shared>>)
      tpu.yield
    }) : () -> ()
    %broadcast_in_dim3A = arith.constant 0.000000e+00 : bf16
    %broadcast_in_dim3A_5 = vector.broadcast %broadcast_in_dim3A : bf16 to vector<32xbf16>
    %scan3A = arith.constant 0 : i32
    %scan3A_6 = arith.constant 0 : i32
    %scan3A_7 = arith.constant 512 : i32
    %scan3A_8 = arith.addi %scan3A_6, %scan3A_7 : i32
    %scan3A_9 = arith.constant 1 : i32
    scf.for %scan3A_157 = %scan3A_6 to %scan3A_8 step %scan3A_9  : i32 {
      %shift_right_arithmetic3A = arith.constant 2 : i32
      %shift_right_arithmetic3A_158 = arith.shrsi %scan3A_157, %shift_right_arithmetic3A : i32
      %and3A = arith.constant 3 : i32
      %and3A_159 = arith.andi %scan3A_157, %and3A : i32
      %mul3A_160 = arith.constant 32 : i32
      %mul3A_161 = arith.muli %and3A_159, %mul3A_160 : i32
      %swap3A = arith.index_cast %shift_right_arithmetic3A_158 : i32 to index
      %swap3A_162 = arith.index_cast %mul3A_161 : i32 to index
      %swap3A_163 = tpu.vector_load %arg8[%swap3A, %swap3A_162] {strides = array<i32>} : memref<128x128xbf16, #tpu.memory_space<vmem>>, vector<1x32xbf16>,
      %swap3A_164 = vector.shape_cast %swap3A_163 : vector<1x32xbf16> to vector<32xbf16>
      %swap3A_165 = vector.shape_cast %broadcast_in_dim3A_5 : vector<32xbf16> to vector<1x32xbf16>
      tpu.vector_store %arg8[%swap3A, %swap3A_162], %swap3A_165 {strides = array<i32>} : memref<128x128xbf16, #tpu.memory_space<vmem>>, vector<1x32xbf16>,
    }
    %scan3A_10 = arith.constant 512 : i32
    %mul3A_11 = arith.constant 632 : i32
    %mul3A_12 = arith.muli %arg1, %mul3A_11 : i32
    %add3A_13 = arith.constant 0 : i32
    %add3A_14 = arith.addi %mul3A_12, %add3A_13 : i32
    "tpu.region"() ({
      %run_scoped3A_157 = tpu.sem_alloc : memref<!tpu.dma_semaphore, #tpu.memory_space<semaphore_mem>>
      %dma_start3A_158 = arith.constant 0 : i32
      %dma_start3A_159 = tpu.memref_slice %arg11[%add3A_14, %dma_start3A_158] : memref<10112x128xbf16, #tpu.memory_space<vmem_shared>> -> memref<128x128xbf16, #tpu.memory_space<vmem_shared>>
      %dma_start3A_160 = arith.constant 0 : i32
      %dma_start3A_161 = tpu.memref_slice %arg11[%add3A_14, %dma_start3A_160] : memref<10112x128xbf16, #tpu.memory_space<vmem_shared>> -> memref<128x128xbf16, #tpu.memory_space<vmem_shared>>
      tpu.enqueue_dma source(%arg8 : memref<128x128xbf16, #tpu.memory_space<vmem>>) target(%dma_start3A_161 : memref<128x128xbf16, #tpu.memory_space<vmem_shared>>) target_semaphore(%run_scoped3A_157 : memref<!tpu.dma_semaphore, #tpu.memory_space<semaphore_mem>>)
      %dma_wait3A_162 = arith.constant 0 : i32
      %dma_wait3A_163 = tpu.memref_slice %arg11[%add3A_14, %dma_wait3A_162] : memref<10112x128xbf16, #tpu.memory_space<vmem_shared>> -> memref<128x128xbf16, #tpu.memory_space<vmem_shared>>
      %dma_wait3A_164 = arith.constant 0 : i32
      %dma_wait3A_165 = tpu.memref_slice %arg11[%add3A_14, %dma_wait3A_164] : memref<10112x128xbf16, #tpu.memory_space<vmem_shared>> -> memref<128x128xbf16, #tpu.memory_space<vmem_shared>>
      tpu.wait_dma2 semaphore(%run_scoped3A_157 : memref<!tpu.dma_semaphore, #tpu.memory_space<semaphore_mem>>) src(%arg8 : memref<128x128xbf16, #tpu.memory_space<vmem>>) dst(%dma_wait3A_165 : memref<128x128xbf16, #tpu.memory_space<vmem_shared>>)
      tpu.yield
    }) : () -> ()
    %add3A_15 = arith.constant 128 : i32
    %add3A_16 = arith.addi %mul3A_12, %add3A_15 : i32
    "tpu.region"() ({
      %run_scoped3A_157 = tpu.sem_alloc : memref<!tpu.dma_semaphore, #tpu.memory_space<semaphore_mem>>
      %dma_start3A_158 = arith.constant 0 : i32
      %dma_start3A_159 = tpu.memref_slice %arg11[%add3A_16, %dma_start3A_158] : memref<10112x128xbf16, #tpu.memory_space<vmem_shared>> -> memref<128x128xbf16, #tpu.memory_space<vmem_shared>>
      %dma_start3A_160 = arith.constant 0 : i32
      %dma_start3A_161 = tpu.memref_slice %arg11[%add3A_16, %dma_start3A_160] : memref<10112x128xbf16, #tpu.memory_space<vmem_shared>> -> memref<128x128xbf16, #tpu.memory_space<vmem_shared>>
      tpu.enqueue_dma source(%arg8 : memref<128x128xbf16, #tpu.memory_space<vmem>>) target(%dma_start3A_161 : memref<128x128xbf16, #tpu.memory_space<vmem_shared>>) target_semaphore(%run_scoped3A_157 : memref<!tpu.dma_semaphore, #tpu.memory_space<semaphore_mem>>)
      %dma_wait3A_162 = arith.constant 0 : i32
      %dma_wait3A_163 = tpu.memref_slice %arg11[%add3A_16, %dma_wait3A_162] : memref<10112x128xbf16, #tpu.memory_space<vmem_shared>> -> memref<128x128xbf16, #tpu.memory_space<vmem_shared>>
      %dma_wait3A_164 = arith.constant 0 : i32
      %dma_wait3A_165 = tpu.memref_slice %arg11[%add3A_16, %dma_wait3A_164] : memref<10112x128xbf16, #tpu.memory_space<vmem_shared>> -> memref<128x128xbf16, #tpu.memory_space<vmem_shared>>
      tpu.wait_dma2 semaphore(%run_scoped3A_157 : memref<!tpu.dma_semaphore, #tpu.memory_space<semaphore_mem>>) src(%arg8 : memref<128x128xbf16, #tpu.memory_space<vmem>>) dst(%dma_wait3A_165 : memref<128x128xbf16, #tpu.memory_space<vmem_shared>>)
      tpu.yield
    }) : () -> ()
    %add3A_17 = arith.constant 256 : i32
    %add3A_18 = arith.addi %mul3A_12, %add3A_17 : i32
    "tpu.region"() ({
      %run_scoped3A_157 = tpu.sem_alloc : memref<!tpu.dma_semaphore, #tpu.memory_space<semaphore_mem>>
      %dma_start3A_158 = arith.constant 0 : i32
      %dma_start3A_159 = tpu.memref_slice %arg11[%add3A_18, %dma_start3A_158] : memref<10112x128xbf16, #tpu.memory_space<vmem_shared>> -> memref<128x128xbf16, #tpu.memory_space<vmem_shared>>
      %dma_start3A_160 = arith.constant 0 : i32
      %dma_start3A_161 = tpu.memref_slice %arg11[%add3A_18, %dma_start3A_160] : memref<10112x128xbf16, #tpu.memory_space<vmem_shared>> -> memref<128x128xbf16, #tpu.memory_space<vmem_shared>>
      tpu.enqueue_dma source(%arg8 : memref<128x128xbf16, #tpu.memory_space<vmem>>) target(%dma_start3A_161 : memref<128x128xbf16, #tpu.memory_space<vmem_shared>>) target_semaphore(%run_scoped3A_157 : memref<!tpu.dma_semaphore, #tpu.memory_space<semaphore_mem>>)
      %dma_wait3A_162 = arith.constant 0 : i32
      %dma_wait3A_163 = tpu.memref_slice %arg11[%add3A_18, %dma_wait3A_162] : memref<10112x128xbf16, #tpu.memory_space<vmem_shared>> -> memref<128x128xbf16, #tpu.memory_space<vmem_shared>>
      %dma_wait3A_164 = arith.constant 0 : i32
      %dma_wait3A_165 = tpu.memref_slice %arg11[%add3A_18, %dma_wait3A_164] : memref<10112x128xbf16, #tpu.memory_space<vmem_shared>> -> memref<128x128xbf16, #tpu.memory_space<vmem_shared>>
      tpu.wait_dma2 semaphore(%run_scoped3A_157 : memref<!tpu.dma_semaphore, #tpu.memory_space<semaphore_mem>>) src(%arg8 : memref<128x128xbf16, #tpu.memory_space<vmem>>) dst(%dma_wait3A_165 : memref<128x128xbf16, #tpu.memory_space<vmem_shared>>)
      tpu.yield
    }) : () -> ()
    %add3A_19 = arith.constant 384 : i32
    %add3A_20 = arith.addi %mul3A_12, %add3A_19 : i32
    "tpu.region"() ({
      %run_scoped3A_157 = tpu.sem_alloc : memref<!tpu.dma_semaphore, #tpu.memory_space<semaphore_mem>>
      %dma_start3A_158 = arith.constant 0 : i32
      %dma_start3A_159 = tpu.memref_slice %arg11[%add3A_20, %dma_start3A_158] : memref<10112x128xbf16, #tpu.memory_space<vmem_shared>> -> memref<128x128xbf16, #tpu.memory_space<vmem_shared>>
      %dma_start3A_160 = arith.constant 0 : i32
      %dma_start3A_161 = tpu.memref_slice %arg11[%add3A_20, %dma_start3A_160] : memref<10112x128xbf16, #tpu.memory_space<vmem_shared>> -> memref<128x128xbf16, #tpu.memory_space<vmem_shared>>
      tpu.enqueue_dma source(%arg8 : memref<128x128xbf16, #tpu.memory_space<vmem>>) target(%dma_start3A_161 : memref<128x128xbf16, #tpu.memory_space<vmem_shared>>) target_semaphore(%run_scoped3A_157 : memref<!tpu.dma_semaphore, #tpu.memory_space<semaphore_mem>>)
      %dma_wait3A_162 = arith.constant 0 : i32
      %dma_wait3A_163 = tpu.memref_slice %arg11[%add3A_20, %dma_wait3A_162] : memref<10112x128xbf16, #tpu.memory_space<vmem_shared>> -> memref<128x128xbf16, #tpu.memory_space<vmem_shared>>
      %dma_wait3A_164 = arith.constant 0 : i32
      %dma_wait3A_165 = tpu.memref_slice %arg11[%add3A_20, %dma_wait3A_164] : memref<10112x128xbf16, #tpu.memory_space<vmem_shared>> -> memref<128x128xbf16, #tpu.memory_space<vmem_shared>>
      tpu.wait_dma2 semaphore(%run_scoped3A_157 : memref<!tpu.dma_semaphore, #tpu.memory_space<semaphore_mem>>) src(%arg8 : memref<128x128xbf16, #tpu.memory_space<vmem>>) dst(%dma_wait3A_165 : memref<128x128xbf16, #tpu.memory_space<vmem_shared>>)
      tpu.yield
    }) : () -> ()
    %add3A_21 = arith.constant 512 : i32
    %add3A_22 = arith.addi %mul3A_12, %add3A_21 : i32
    "tpu.region"() ({
      %run_scoped3A_157 = tpu.sem_alloc : memref<!tpu.dma_semaphore, #tpu.memory_space<semaphore_mem>>
      %dma_start3A_158 = arith.constant 0 : i32
      %dma_start3A_159 = arith.constant 0 : i32
      %dma_start3A_160 = tpu.memref_slice %arg8[%dma_start3A_158, %dma_start3A_159] : memref<128x128xbf16, #tpu.memory_space<vmem>> -> memref<120x128xbf16, #tpu.memory_space<vmem>>
      %dma_start3A_161 = arith.constant 0 : i32
      %dma_start3A_162 = tpu.memref_slice %arg11[%add3A_22, %dma_start3A_161] : memref<10112x128xbf16, #tpu.memory_space<vmem_shared>> -> memref<120x128xbf16, #tpu.memory_space<vmem_shared>>
      %dma_start3A_163 = arith.constant 0 : i32
      %dma_start3A_164 = tpu.memref_slice %arg11[%add3A_22, %dma_start3A_163] : memref<10112x128xbf16, #tpu.memory_space<vmem_shared>> -> memref<120x128xbf16, #tpu.memory_space<vmem_shared>>
      %dma_start3A_165 = arith.constant 0 : i32
      %dma_start3A_166 = arith.constant 0 : i32
      %dma_start3A_167 = tpu.memref_slice %arg8[%dma_start3A_165, %dma_start3A_166] : memref<128x128xbf16, #tpu.memory_space<vmem>> -> memref<120x128xbf16, #tpu.memory_space<vmem>>
      tpu.enqueue_dma source(%dma_start3A_167 : memref<120x128xbf16, #tpu.memory_space<vmem>>) target(%dma_start3A_164 : memref<120x128xbf16, #tpu.memory_space<vmem_shared>>) target_semaphore(%run_scoped3A_157 : memref<!tpu.dma_semaphore, #tpu.memory_space<semaphore_mem>>)
      %dma_wait3A_168 = arith.constant 0 : i32
      %dma_wait3A_169 = arith.constant 0 : i32
      %dma_wait3A_170 = tpu.memref_slice %arg8[%dma_wait3A_168, %dma_wait3A_169] : memref<128x128xbf16, #tpu.memory_space<vmem>> -> memref<120x128xbf16, #tpu.memory_space<vmem>>
      %dma_wait3A_171 = arith.constant 0 : i32
      %dma_wait3A_172 = tpu.memref_slice %arg11[%add3A_22, %dma_wait3A_171] : memref<10112x128xbf16, #tpu.memory_space<vmem_shared>> -> memref<120x128xbf16, #tpu.memory_space<vmem_shared>>
      %dma_wait3A_173 = arith.constant 0 : i32
      %dma_wait3A_174 = tpu.memref_slice %arg11[%add3A_22, %dma_wait3A_173] : memref<10112x128xbf16, #tpu.memory_space<vmem_shared>> -> memref<120x128xbf16, #tpu.memory_space<vmem_shared>>
      %dma_wait3A_175 = arith.constant 0 : i32
      %dma_wait3A_176 = arith.constant 0 : i32
      %dma_wait3A_177 = tpu.memref_slice %arg8[%dma_wait3A_175, %dma_wait3A_176] : memref<128x128xbf16, #tpu.memory_space<vmem>> -> memref<120x128xbf16, #tpu.memory_space<vmem>>
      tpu.wait_dma2 semaphore(%run_scoped3A_157 : memref<!tpu.dma_semaphore, #tpu.memory_space<semaphore_mem>>) src(%dma_wait3A_177 : memref<120x128xbf16, #tpu.memory_space<vmem>>) dst(%dma_wait3A_174 : memref<120x128xbf16, #tpu.memory_space<vmem_shared>>)
      tpu.yield
    }) : () -> ()
    %barrier3A = arith.constant 0 : index
    tpu.barrier barrier_id(%barrier3A)
    "tpu.region"() ({
      %run_scoped3A_157 = tpu.sem_alloc : memref<!tpu.dma_semaphore, #tpu.memory_space<semaphore_mem>>
      %dma_start3A_158 = arith.constant 0 : i32
      %dma_start3A_159 = arith.constant 0 : i32
      %dma_start3A_160 = tpu.memref_slice %arg3[%add3A, %dma_start3A_158, %dma_start3A_159] : memref<32x80x128xi32, #tpu.memory_space<hbm>> -> memref<1x40x128xi32, #tpu.memory_space<hbm>>
      %dma_start3A_161 = tpu.memref_squeeze %dma_start3A_160 : memref<1x40x128xi32, #tpu.memory_space<hbm>> -> memref<40x128xi32, #tpu.memory_space<hbm>>
      %dma_start3A_162 = arith.constant 0 : i32
      %dma_start3A_163 = arith.constant 0 : i32
      %dma_start3A_164 = tpu.memref_slice %arg3[%add3A, %dma_start3A_162, %dma_start3A_163] : memref<32x80x128xi32, #tpu.memory_space<hbm>> -> memref<1x40x128xi32, #tpu.memory_space<hbm>>
      %dma_start3A_165 = tpu.memref_squeeze %dma_start3A_164 : memref<1x40x128xi32, #tpu.memory_space<hbm>> -> memref<40x128xi32, #tpu.memory_space<hbm>>
      tpu.enqueue_dma source(%dma_start3A_165 : memref<40x128xi32, #tpu.memory_space<hbm>>) target(%arg6 : memref<40x128xi32, #tpu.memory_space<vmem>>) target_semaphore(%run_scoped3A_157 : memref<!tpu.dma_semaphore, #tpu.memory_space<semaphore_mem>>)
      %dma_wait3A_166 = arith.constant 0 : i32
      %dma_wait3A_167 = arith.constant 0 : i32
      %dma_wait3A_168 = tpu.memref_slice %arg3[%add3A, %dma_wait3A_166, %dma_wait3A_167] : memref<32x80x128xi32, #tpu.memory_space<hbm>> -> memref<1x40x128xi32, #tpu.memory_space<hbm>>
      %dma_wait3A_169 = tpu.memref_squeeze %dma_wait3A_168 : memref<1x40x128xi32, #tpu.memory_space<hbm>> -> memref<40x128xi32, #tpu.memory_space<hbm>>
      %dma_wait3A_170 = arith.constant 0 : i32
      %dma_wait3A_171 = arith.constant 0 : i32
      %dma_wait3A_172 = tpu.memref_slice %arg3[%add3A, %dma_wait3A_170, %dma_wait3A_171] : memref<32x80x128xi32, #tpu.memory_space<hbm>> -> memref<1x40x128xi32, #tpu.memory_space<hbm>>
      %dma_wait3A_173 = tpu.memref_squeeze %dma_wait3A_172 : memref<1x40x128xi32, #tpu.memory_space<hbm>> -> memref<40x128xi32, #tpu.memory_space<hbm>>
      tpu.wait_dma2 semaphore(%run_scoped3A_157 : memref<!tpu.dma_semaphore, #tpu.memory_space<semaphore_mem>>) src(%dma_wait3A_173 : memref<40x128xi32, #tpu.memory_space<hbm>>) dst(%arg6 : memref<40x128xi32, #tpu.memory_space<vmem>>)
      tpu.yield
    }) : () -> ()
    "tpu.region"() ({
      %run_scoped3A_157 = tpu.sem_alloc : memref<!tpu.dma_semaphore, #tpu.memory_space<semaphore_mem>>
      %dma_start3A_158 = arith.constant 0 : i32
      %dma_start3A_159 = arith.constant 0 : i32
      %dma_start3A_160 = tpu.memref_slice %arg4[%add3A, %dma_start3A_158, %dma_start3A_159] : memref<32x80x128xi32, #tpu.memory_space<hbm>> -> memref<1x40x128xi32, #tpu.memory_space<hbm>>
      %dma_start3A_161 = tpu.memref_squeeze %dma_start3A_160 : memref<1x40x128xi32, #tpu.memory_space<hbm>> -> memref<40x128xi32, #tpu.memory_space<hbm>>
      %dma_start3A_162 = arith.constant 0 : i32
      %dma_start3A_163 = arith.constant 0 : i32
      %dma_start3A_164 = tpu.memref_slice %arg4[%add3A, %dma_start3A_162, %dma_start3A_163] : memref<32x80x128xi32, #tpu.memory_space<hbm>> -> memref<1x40x128xi32, #tpu.memory_space<hbm>>
      %dma_start3A_165 = tpu.memref_squeeze %dma_start3A_164 : memref<1x40x128xi32, #tpu.memory_space<hbm>> -> memref<40x128xi32, #tpu.memory_space<hbm>>
      tpu.enqueue_dma source(%dma_start3A_165 : memref<40x128xi32, #tpu.memory_space<hbm>>) target(%arg7 : memref<40x128xi32, #tpu.memory_space<vmem>>) target_semaphore(%run_scoped3A_157 : memref<!tpu.dma_semaphore, #tpu.memory_space<semaphore_mem>>)
      %dma_wait3A_166 = arith.constant 0 : i32
      %dma_wait3A_167 = arith.constant 0 : i32
      %dma_wait3A_168 = tpu.memref_slice %arg4[%add3A, %dma_wait3A_166, %dma_wait3A_167] : memref<32x80x128xi32, #tpu.memory_space<hbm>> -> memref<1x40x128xi32, #tpu.memory_space<hbm>>
      %dma_wait3A_169 = tpu.memref_squeeze %dma_wait3A_168 : memref<1x40x128xi32, #tpu.memory_space<hbm>> -> memref<40x128xi32, #tpu.memory_space<hbm>>
      %dma_wait3A_170 = arith.constant 0 : i32
      %dma_wait3A_171 = arith.constant 0 : i32
      %dma_wait3A_172 = tpu.memref_slice %arg4[%add3A, %dma_wait3A_170, %dma_wait3A_171] : memref<32x80x128xi32, #tpu.memory_space<hbm>> -> memref<1x40x128xi32, #tpu.memory_space<hbm>>
      %dma_wait3A_173 = tpu.memref_squeeze %dma_wait3A_172 : memref<1x40x128xi32, #tpu.memory_space<hbm>> -> memref<40x128xi32, #tpu.memory_space<hbm>>
      tpu.wait_dma2 semaphore(%run_scoped3A_157 : memref<!tpu.dma_semaphore, #tpu.memory_space<semaphore_mem>>) src(%dma_wait3A_173 : memref<40x128xi32, #tpu.memory_space<hbm>>) dst(%arg7 : memref<40x128xi32, #tpu.memory_space<vmem>>)
      tpu.yield
    }) : () -> ()
    %dma_start3A = arith.constant 0 : i32
    %dma_start3A_23 = arith.constant 0 : i32
    %dma_start3A_24 = tpu.memref_slice %arg6[%dma_start3A, %dma_start3A_23] : memref<40x128xi32, #tpu.memory_space<vmem>> -> memref<1x128xi32, #tpu.memory_space<vmem>>
    %dma_start3A_25 = tpu.memref_squeeze %dma_start3A_24 : memref<1x128xi32, #tpu.memory_space<vmem>> -> memref<128xi32, #tpu.memory_space<vmem>>
    %dma_start3A_26 = arith.constant 0 : i32
    %dma_start3A_27 = arith.constant 0 : i32
    %dma_start3A_28 = tpu.memref_slice %arg10[%dma_start3A_26, %dma_start3A_27] : memref<10000x128xbf16, #tpu.memory_space<vmem_shared>> -> memref<10000x128xbf16, #tpu.memory_space<vmem_shared>>
    tpu.enqueue_indirect_dma source(%dma_start3A_28 : memref<10000x128xbf16, #tpu.memory_space<vmem_shared>>) target(%arg8 : memref<128x128xbf16, #tpu.memory_space<vmem>>) offsets(%dma_start3A_25 : memref<128xi32, #tpu.memory_space<vmem>>) semaphore(%arg12 : memref<!tpu.dma_semaphore, #tpu.memory_space<semaphore_mem>>)
    %dma_start3A_29 = arith.constant 1 : i32
    %dma_start3A_30 = arith.constant 0 : i32
    %dma_start3A_31 = tpu.memref_slice %arg6[%dma_start3A_29, %dma_start3A_30] : memref<40x128xi32, #tpu.memory_space<vmem>> -> memref<1x128xi32, #tpu.memory_space<vmem>>
    %dma_start3A_32 = tpu.memref_squeeze %dma_start3A_31 : memref<1x128xi32, #tpu.memory_space<vmem>> -> memref<128xi32, #tpu.memory_space<vmem>>
    %dma_start3A_33 = arith.constant 0 : i32
    %dma_start3A_34 = arith.constant 0 : i32
    %dma_start3A_35 = tpu.memref_slice %arg10[%dma_start3A_33, %dma_start3A_34] : memref<10000x128xbf16, #tpu.memory_space<vmem_shared>> -> memref<10000x128xbf16, #tpu.memory_space<vmem_shared>>
    tpu.enqueue_indirect_dma source(%dma_start3A_35 : memref<10000x128xbf16, #tpu.memory_space<vmem_shared>>) target(%arg9 : memref<128x128xbf16, #tpu.memory_space<vmem>>) offsets(%dma_start3A_32 : memref<128xi32, #tpu.memory_space<vmem>>) semaphore(%arg13 : memref<!tpu.dma_semaphore, #tpu.memory_space<semaphore_mem>>)
    %scan3A_36 = arith.constant 0 : i32
    %scan3A_37 = arith.constant 0 : i32
    %scan3A_38 = arith.constant 18 : i32
    %scan3A_39 = arith.addi %scan3A_37, %scan3A_38 : i32
    %scan3A_40 = arith.constant 1 : i32
    scf.for %scan3A_157 = %scan3A_37 to %scan3A_39 step %scan3A_40  : i32 {
      %mul3A_158 = arith.constant 2 : i32
      %mul3A_159 = arith.muli %scan3A_157, %mul3A_158 : i32
      %dma_wait3A_160 = arith.constant 0 : i32
      %dma_wait3A_161 = tpu.memref_slice %arg6[%mul3A_159, %dma_wait3A_160] : memref<40x128xi32, #tpu.memory_space<vmem>> -> memref<1x128xi32, #tpu.memory_space<vmem>>
      %dma_wait3A_162 = tpu.memref_squeeze %dma_wait3A_161 : memref<1x128xi32, #tpu.memory_space<vmem>> -> memref<128xi32, #tpu.memory_space<vmem>>
      %dma_wait3A_163 = arith.constant 0 : i32
      %dma_wait3A_164 = arith.constant 0 : i32
      %dma_wait3A_165 = tpu.memref_slice %arg10[%dma_wait3A_163, %dma_wait3A_164] : memref<10000x128xbf16, #tpu.memory_space<vmem_shared>> -> memref<10000x128xbf16, #tpu.memory_space<vmem_shared>>
      tpu.wait_indirect_dma semaphore(%arg12 : memref<!tpu.dma_semaphore, #tpu.memory_space<semaphore_mem>>) src(%dma_wait3A_165 : memref<10000x128xbf16, #tpu.memory_space<vmem_shared>>) dst(%arg8 : memref<128x128xbf16, #tpu.memory_space<vmem>>)
      "tpu.region"() ({
        %run_scoped3A_192 = tpu.sem_alloc : memref<!tpu.dma_semaphore, #tpu.memory_space<semaphore_mem>>
        %dma_start3A_193 = arith.constant 0 : i32
        %dma_start3A_194 = tpu.memref_slice %arg7[%mul3A_159, %dma_start3A_193] : memref<40x128xi32, #tpu.memory_space<vmem>> -> memref<1x128xi32, #tpu.memory_space<vmem>>
        %dma_start3A_195 = tpu.memref_squeeze %dma_start3A_194 : memref<1x128xi32, #tpu.memory_space<vmem>> -> memref<128xi32, #tpu.memory_space<vmem>>
        %dma_start3A_196 = arith.constant 0 : i32
        %dma_start3A_197 = arith.constant 0 : i32
        %dma_start3A_198 = tpu.memref_slice %arg11[%dma_start3A_196, %dma_start3A_197] : memref<10112x128xbf16, #tpu.memory_space<vmem_shared>> -> memref<10112x128xbf16, #tpu.memory_space<vmem_shared>>
        tpu.enqueue_indirect_dma source(%arg8 : memref<128x128xbf16, #tpu.memory_space<vmem>>) target(%dma_start3A_198 : memref<10112x128xbf16, #tpu.memory_space<vmem_shared>>) offsets(%dma_start3A_195 : memref<128xi32, #tpu.memory_space<vmem>>) semaphore(%run_scoped3A_192 : memref<!tpu.dma_semaphore, #tpu.memory_space<semaphore_mem>>) {add = true}
        %dma_wait3A_199 = arith.constant 0 : i32
        %dma_wait3A_200 = tpu.memref_slice %arg7[%mul3A_159, %dma_wait3A_199] : memref<40x128xi32, #tpu.memory_space<vmem>> -> memref<1x128xi32, #tpu.memory_space<vmem>>
        %dma_wait3A_201 = tpu.memref_squeeze %dma_wait3A_200 : memref<1x128xi32, #tpu.memory_space<vmem>> -> memref<128xi32, #tpu.memory_space<vmem>>
        %dma_wait3A_202 = arith.constant 0 : i32
        %dma_wait3A_203 = arith.constant 0 : i32
        %dma_wait3A_204 = tpu.memref_slice %arg11[%dma_wait3A_202, %dma_wait3A_203] : memref<10112x128xbf16, #tpu.memory_space<vmem_shared>> -> memref<10112x128xbf16, #tpu.memory_space<vmem_shared>>
        tpu.wait_indirect_dma semaphore(%run_scoped3A_192 : memref<!tpu.dma_semaphore, #tpu.memory_space<semaphore_mem>>) src(%arg8 : memref<128x128xbf16, #tpu.memory_space<vmem>>) dst(%dma_wait3A_204 : memref<10112x128xbf16, #tpu.memory_space<vmem_shared>>)
        tpu.yield
      }) : () -> ()
      %add3A_166 = arith.constant 2 : i32
      %add3A_167 = arith.addi %mul3A_159, %add3A_166 : i32
      %dma_start3A_168 = arith.constant 0 : i32
      %dma_start3A_169 = tpu.memref_slice %arg6[%add3A_167, %dma_start3A_168] : memref<40x128xi32, #tpu.memory_space<vmem>> -> memref<1x128xi32, #tpu.memory_space<vmem>>
      %dma_start3A_170 = tpu.memref_squeeze %dma_start3A_169 : memref<1x128xi32, #tpu.memory_space<vmem>> -> memref<128xi32, #tpu.memory_space<vmem>>
      %dma_start3A_171 = arith.constant 0 : i32
      %dma_start3A_172 = arith.constant 0 : i32
      %dma_start3A_173 = tpu.memref_slice %arg10[%dma_start3A_171, %dma_start3A_172] : memref<10000x128xbf16, #tpu.memory_space<vmem_shared>> -> memref<10000x128xbf16, #tpu.memory_space<vmem_shared>>
      tpu.enqueue_indirect_dma source(%dma_start3A_173 : memref<10000x128xbf16, #tpu.memory_space<vmem_shared>>) target(%arg8 : memref<128x128xbf16, #tpu.memory_space<vmem>>) offsets(%dma_start3A_170 : memref<128xi32, #tpu.memory_space<vmem>>) semaphore(%arg12 : memref<!tpu.dma_semaphore, #tpu.memory_space<semaphore_mem>>)
      %add3A_174 = arith.constant 1 : i32
      %add3A_175 = arith.addi %mul3A_159, %add3A_174 : i32
      %dma_wait3A_176 = arith.constant 0 : i32
      %dma_wait3A_177 = tpu.memref_slice %arg6[%add3A_175, %dma_wait3A_176] : memref<40x128xi32, #tpu.memory_space<vmem>> -> memref<1x128xi32, #tpu.memory_space<vmem>>
      %dma_wait3A_178 = tpu.memref_squeeze %dma_wait3A_177 : memref<1x128xi32, #tpu.memory_space<vmem>> -> memref<128xi32, #tpu.memory_space<vmem>>
      %dma_wait3A_179 = arith.constant 0 : i32
      %dma_wait3A_180 = arith.constant 0 : i32
      %dma_wait3A_181 = tpu.memref_slice %arg10[%dma_wait3A_179, %dma_wait3A_180] : memref<10000x128xbf16, #tpu.memory_space<vmem_shared>> -> memref<10000x128xbf16, #tpu.memory_space<vmem_shared>>
      tpu.wait_indirect_dma semaphore(%arg13 : memref<!tpu.dma_semaphore, #tpu.memory_space<semaphore_mem>>) src(%dma_wait3A_181 : memref<10000x128xbf16, #tpu.memory_space<vmem_shared>>) dst(%arg9 : memref<128x128xbf16, #tpu.memory_space<vmem>>)
      %add3A_182 = arith.constant 1 : i32
      %add3A_183 = arith.addi %mul3A_159, %add3A_182 : i32
      "tpu.region"() ({
        %run_scoped3A_192 = tpu.sem_alloc : memref<!tpu.dma_semaphore, #tpu.memory_space<semaphore_mem>>
        %dma_start3A_193 = arith.constant 0 : i32
        %dma_start3A_194 = tpu.memref_slice %arg7[%add3A_183, %dma_start3A_193] : memref<40x128xi32, #tpu.memory_space<vmem>> -> memref<1x128xi32, #tpu.memory_space<vmem>>
        %dma_start3A_195 = tpu.memref_squeeze %dma_start3A_194 : memref<1x128xi32, #tpu.memory_space<vmem>> -> memref<128xi32, #tpu.memory_space<vmem>>
        %dma_start3A_196 = arith.constant 0 : i32
        %dma_start3A_197 = arith.constant 0 : i32
        %dma_start3A_198 = tpu.memref_slice %arg11[%dma_start3A_196, %dma_start3A_197] : memref<10112x128xbf16, #tpu.memory_space<vmem_shared>> -> memref<10112x128xbf16, #tpu.memory_space<vmem_shared>>
        tpu.enqueue_indirect_dma source(%arg9 : memref<128x128xbf16, #tpu.memory_space<vmem>>) target(%dma_start3A_198 : memref<10112x128xbf16, #tpu.memory_space<vmem_shared>>) offsets(%dma_start3A_195 : memref<128xi32, #tpu.memory_space<vmem>>) semaphore(%run_scoped3A_192 : memref<!tpu.dma_semaphore, #tpu.memory_space<semaphore_mem>>) {add = true}
        %dma_wait3A_199 = arith.constant 0 : i32
        %dma_wait3A_200 = tpu.memref_slice %arg7[%add3A_183, %dma_wait3A_199] : memref<40x128xi32, #tpu.memory_space<vmem>> -> memref<1x128xi32, #tpu.memory_space<vmem>>
        %dma_wait3A_201 = tpu.memref_squeeze %dma_wait3A_200 : memref<1x128xi32, #tpu.memory_space<vmem>> -> memref<128xi32, #tpu.memory_space<vmem>>
        %dma_wait3A_202 = arith.constant 0 : i32
        %dma_wait3A_203 = arith.constant 0 : i32
        %dma_wait3A_204 = tpu.memref_slice %arg11[%dma_wait3A_202, %dma_wait3A_203] : memref<10112x128xbf16, #tpu.memory_space<vmem_shared>> -> memref<10112x128xbf16, #tpu.memory_space<vmem_shared>>
        tpu.wait_indirect_dma semaphore(%run_scoped3A_192 : memref<!tpu.dma_semaphore, #tpu.memory_space<semaphore_mem>>) src(%arg9 : memref<128x128xbf16, #tpu.memory_space<vmem>>) dst(%dma_wait3A_204 : memref<10112x128xbf16, #tpu.memory_space<vmem_shared>>)
        tpu.yield
      }) : () -> ()
      %add3A_184 = arith.constant 3 : i32
      %add3A_185 = arith.addi %mul3A_159, %add3A_184 : i32
      %dma_start3A_186 = arith.constant 0 : i32
      %dma_start3A_187 = tpu.memref_slice %arg6[%add3A_185, %dma_start3A_186] : memref<40x128xi32, #tpu.memory_space<vmem>> -> memref<1x128xi32, #tpu.memory_space<vmem>>
      %dma_start3A_188 = tpu.memref_squeeze %dma_start3A_187 : memref<1x128xi32, #tpu.memory_space<vmem>> -> memref<128xi32, #tpu.memory_space<vmem>>
      %dma_start3A_189 = arith.constant 0 : i32
      %dma_start3A_190 = arith.constant 0 : i32
      %dma_start3A_191 = tpu.memref_slice %arg10[%dma_start3A_189, %dma_start3A_190] : memref<10000x128xbf16, #tpu.memory_space<vmem_shared>> -> memref<10000x128xbf16, #tpu.memory_space<vmem_shared>>
      tpu.enqueue_indirect_dma source(%dma_start3A_191 : memref<10000x128xbf16, #tpu.memory_space<vmem_shared>>) target(%arg9 : memref<128x128xbf16, #tpu.memory_space<vmem>>) offsets(%dma_start3A_188 : memref<128xi32, #tpu.memory_space<vmem>>) semaphore(%arg13 : memref<!tpu.dma_semaphore, #tpu.memory_space<semaphore_mem>>)
    }
    %scan3A_41 = arith.constant 18 : i32
    %dma_wait3A = arith.constant 36 : i32
    %dma_wait3A_42 = arith.constant 0 : i32
    %dma_wait3A_43 = tpu.memref_slice %arg6[%dma_wait3A, %dma_wait3A_42] : memref<40x128xi32, #tpu.memory_space<vmem>> -> memref<1x128xi32, #tpu.memory_space<vmem>>
    %dma_wait3A_44 = tpu.memref_squeeze %dma_wait3A_43 : memref<1x128xi32, #tpu.memory_space<vmem>> -> memref<128xi32, #tpu.memory_space<vmem>>
    %dma_wait3A_45 = arith.constant 0 : i32
    %dma_wait3A_46 = arith.constant 0 : i32
    %dma_wait3A_47 = tpu.memref_slice %arg10[%dma_wait3A_45, %dma_wait3A_46] : memref<10000x128xbf16, #tpu.memory_space<vmem_shared>> -> memref<10000x128xbf16, #tpu.memory_space<vmem_shared>>
    tpu.wait_indirect_dma semaphore(%arg12 : memref<!tpu.dma_semaphore, #tpu.memory_space<semaphore_mem>>) src(%dma_wait3A_47 : memref<10000x128xbf16, #tpu.memory_space<vmem_shared>>) dst(%arg8 : memref<128x128xbf16, #tpu.memory_space<vmem>>)
    %run_scoped3A = arith.constant 36 : i32
    "tpu.region"() ({
      %run_scoped3A_157 = tpu.sem_alloc : memref<!tpu.dma_semaphore, #tpu.memory_space<semaphore_mem>>
      %dma_start3A_158 = arith.constant 0 : i32
      %dma_start3A_159 = tpu.memref_slice %arg7[%run_scoped3A, %dma_start3A_158] : memref<40x128xi32, #tpu.memory_space<vmem>> -> memref<1x128xi32, #tpu.memory_space<vmem>>
      %dma_start3A_160 = tpu.memref_squeeze %dma_start3A_159 : memref<1x128xi32, #tpu.memory_space<vmem>> -> memref<128xi32, #tpu.memory_space<vmem>>
      %dma_start3A_161 = arith.constant 0 : i32
      %dma_start3A_162 = arith.constant 0 : i32
      %dma_start3A_163 = tpu.memref_slice %arg11[%dma_start3A_161, %dma_start3A_162] : memref<10112x128xbf16, #tpu.memory_space<vmem_shared>> -> memref<10112x128xbf16, #tpu.memory_space<vmem_shared>>
      tpu.enqueue_indirect_dma source(%arg8 : memref<128x128xbf16, #tpu.memory_space<vmem>>) target(%dma_start3A_163 : memref<10112x128xbf16, #tpu.memory_space<vmem_shared>>) offsets(%dma_start3A_160 : memref<128xi32, #tpu.memory_space<vmem>>) semaphore(%run_scoped3A_157 : memref<!tpu.dma_semaphore, #tpu.memory_space<semaphore_mem>>) {add = true}
      %dma_wait3A_164 = arith.constant 0 : i32
      %dma_wait3A_165 = tpu.memref_slice %arg7[%run_scoped3A, %dma_wait3A_164] : memref<40x128xi32, #tpu.memory_space<vmem>> -> memref<1x128xi32, #tpu.memory_space<vmem>>
      %dma_wait3A_166 = tpu.memref_squeeze %dma_wait3A_165 : memref<1x128xi32, #tpu.memory_space<vmem>> -> memref<128xi32, #tpu.memory_space<vmem>>
      %dma_wait3A_167 = arith.constant 0 : i32
      %dma_wait3A_168 = arith.constant 0 : i32
      %dma_wait3A_169 = tpu.memref_slice %arg11[%dma_wait3A_167, %dma_wait3A_168] : memref<10112x128xbf16, #tpu.memory_space<vmem_shared>> -> memref<10112x128xbf16, #tpu.memory_space<vmem_shared>>
      tpu.wait_indirect_dma semaphore(%run_scoped3A_157 : memref<!tpu.dma_semaphore, #tpu.memory_space<semaphore_mem>>) src(%arg8 : memref<128x128xbf16, #tpu.memory_space<vmem>>) dst(%dma_wait3A_169 : memref<10112x128xbf16, #tpu.memory_space<vmem_shared>>)
      tpu.yield
    }) : () -> ()
    %dma_start3A_48 = arith.constant 38 : i32
    %dma_start3A_49 = arith.constant 0 : i32
    %dma_start3A_50 = tpu.memref_slice %arg6[%dma_start3A_48, %dma_start3A_49] : memref<40x128xi32, #tpu.memory_space<vmem>> -> memref<1x128xi32, #tpu.memory_space<vmem>>
    %dma_start3A_51 = tpu.memref_squeeze %dma_start3A_50 : memref<1x128xi32, #tpu.memory_space<vmem>> -> memref<128xi32, #tpu.memory_space<vmem>>
    %dma_start3A_52 = arith.constant 0 : i32
    %dma_start3A_53 = arith.constant 0 : i32
    %dma_start3A_54 = tpu.memref_slice %arg10[%dma_start3A_52, %dma_start3A_53] : memref<10000x128xbf16, #tpu.memory_space<vmem_shared>> -> memref<10000x128xbf16, #tpu.memory_space<vmem_shared>>
    tpu.enqueue_indirect_dma source(%dma_start3A_54 : memref<10000x128xbf16, #tpu.memory_space<vmem_shared>>) target(%arg8 : memref<128x128xbf16, #tpu.memory_space<vmem>>) offsets(%dma_start3A_51 : memref<128xi32, #tpu.memory_space<vmem>>) semaphore(%arg12 : memref<!tpu.dma_semaphore, #tpu.memory_space<semaphore_mem>>)
    %dma_wait3A_55 = arith.constant 37 : i32
    %dma_wait3A_56 = arith.constant 0 : i32
    %dma_wait3A_57 = tpu.memref_slice %arg6[%dma_wait3A_55, %dma_wait3A_56] : memref<40x128xi32, #tpu.memory_space<vmem>> -> memref<1x128xi32, #tpu.memory_space<vmem>>
    %dma_wait3A_58 = tpu.memref_squeeze %dma_wait3A_57 : memref<1x128xi32, #tpu.memory_space<vmem>> -> memref<128xi32, #tpu.memory_space<vmem>>
    %dma_wait3A_59 = arith.constant 0 : i32
    %dma_wait3A_60 = arith.constant 0 : i32
    %dma_wait3A_61 = tpu.memref_slice %arg10[%dma_wait3A_59, %dma_wait3A_60] : memref<10000x128xbf16, #tpu.memory_space<vmem_shared>> -> memref<10000x128xbf16, #tpu.memory_space<vmem_shared>>
    tpu.wait_indirect_dma semaphore(%arg13 : memref<!tpu.dma_semaphore, #tpu.memory_space<semaphore_mem>>) src(%dma_wait3A_61 : memref<10000x128xbf16, #tpu.memory_space<vmem_shared>>) dst(%arg9 : memref<128x128xbf16, #tpu.memory_space<vmem>>)
    %run_scoped3A_62 = arith.constant 37 : i32
    "tpu.region"() ({
      %run_scoped3A_157 = tpu.sem_alloc : memref<!tpu.dma_semaphore, #tpu.memory_space<semaphore_mem>>
      %dma_start3A_158 = arith.constant 0 : i32
      %dma_start3A_159 = tpu.memref_slice %arg7[%run_scoped3A_62, %dma_start3A_158] : memref<40x128xi32, #tpu.memory_space<vmem>> -> memref<1x128xi32, #tpu.memory_space<vmem>>
      %dma_start3A_160 = tpu.memref_squeeze %dma_start3A_159 : memref<1x128xi32, #tpu.memory_space<vmem>> -> memref<128xi32, #tpu.memory_space<vmem>>
      %dma_start3A_161 = arith.constant 0 : i32
      %dma_start3A_162 = arith.constant 0 : i32
      %dma_start3A_163 = tpu.memref_slice %arg11[%dma_start3A_161, %dma_start3A_162] : memref<10112x128xbf16, #tpu.memory_space<vmem_shared>> -> memref<10112x128xbf16, #tpu.memory_space<vmem_shared>>
      tpu.enqueue_indirect_dma source(%arg9 : memref<128x128xbf16, #tpu.memory_space<vmem>>) target(%dma_start3A_163 : memref<10112x128xbf16, #tpu.memory_space<vmem_shared>>) offsets(%dma_start3A_160 : memref<128xi32, #tpu.memory_space<vmem>>) semaphore(%run_scoped3A_157 : memref<!tpu.dma_semaphore, #tpu.memory_space<semaphore_mem>>) {add = true}
      %dma_wait3A_164 = arith.constant 0 : i32
      %dma_wait3A_165 = tpu.memref_slice %arg7[%run_scoped3A_62, %dma_wait3A_164] : memref<40x128xi32, #tpu.memory_space<vmem>> -> memref<1x128xi32, #tpu.memory_space<vmem>>
      %dma_wait3A_166 = tpu.memref_squeeze %dma_wait3A_165 : memref<1x128xi32, #tpu.memory_space<vmem>> -> memref<128xi32, #tpu.memory_space<vmem>>
      %dma_wait3A_167 = arith.constant 0 : i32
      %dma_wait3A_168 = arith.constant 0 : i32
      %dma_wait3A_169 = tpu.memref_slice %arg11[%dma_wait3A_167, %dma_wait3A_168] : memref<10112x128xbf16, #tpu.memory_space<vmem_shared>> -> memref<10112x128xbf16, #tpu.memory_space<vmem_shared>>
      tpu.wait_indirect_dma semaphore(%run_scoped3A_157 : memref<!tpu.dma_semaphore, #tpu.memory_space<semaphore_mem>>) src(%arg9 : memref<128x128xbf16, #tpu.memory_space<vmem>>) dst(%dma_wait3A_169 : memref<10112x128xbf16, #tpu.memory_space<vmem_shared>>)
      tpu.yield
    }) : () -> ()
    %dma_start3A_63 = arith.constant 39 : i32
    %dma_start3A_64 = arith.constant 0 : i32
    %dma_start3A_65 = tpu.memref_slice %arg6[%dma_start3A_63, %dma_start3A_64] : memref<40x128xi32, #tpu.memory_space<vmem>> -> memref<1x128xi32, #tpu.memory_space<vmem>>
    %dma_start3A_66 = tpu.memref_squeeze %dma_start3A_65 : memref<1x128xi32, #tpu.memory_space<vmem>> -> memref<128xi32, #tpu.memory_space<vmem>>
    %dma_start3A_67 = arith.constant 0 : i32
    %dma_start3A_68 = arith.constant 0 : i32
    %dma_start3A_69 = tpu.memref_slice %arg10[%dma_start3A_67, %dma_start3A_68] : memref<10000x128xbf16, #tpu.memory_space<vmem_shared>> -> memref<10000x128xbf16, #tpu.memory_space<vmem_shared>>
    tpu.enqueue_indirect_dma source(%dma_start3A_69 : memref<10000x128xbf16, #tpu.memory_space<vmem_shared>>) target(%arg9 : memref<128x128xbf16, #tpu.memory_space<vmem>>) offsets(%dma_start3A_66 : memref<128xi32, #tpu.memory_space<vmem>>) semaphore(%arg13 : memref<!tpu.dma_semaphore, #tpu.memory_space<semaphore_mem>>)
    %dma_wait3A_70 = arith.constant 38 : i32
    %dma_wait3A_71 = arith.constant 0 : i32
    %dma_wait3A_72 = tpu.memref_slice %arg6[%dma_wait3A_70, %dma_wait3A_71] : memref<40x128xi32, #tpu.memory_space<vmem>> -> memref<1x128xi32, #tpu.memory_space<vmem>>
    %dma_wait3A_73 = tpu.memref_squeeze %dma_wait3A_72 : memref<1x128xi32, #tpu.memory_space<vmem>> -> memref<128xi32, #tpu.memory_space<vmem>>
    %dma_wait3A_74 = arith.constant 0 : i32
    %dma_wait3A_75 = arith.constant 0 : i32
    %dma_wait3A_76 = tpu.memref_slice %arg10[%dma_wait3A_74, %dma_wait3A_75] : memref<10000x128xbf16, #tpu.memory_space<vmem_shared>> -> memref<10000x128xbf16, #tpu.memory_space<vmem_shared>>
    tpu.wait_indirect_dma semaphore(%arg12 : memref<!tpu.dma_semaphore, #tpu.memory_space<semaphore_mem>>) src(%dma_wait3A_76 : memref<10000x128xbf16, #tpu.memory_space<vmem_shared>>) dst(%arg8 : memref<128x128xbf16, #tpu.memory_space<vmem>>)
    %run_scoped3A_77 = arith.constant 38 : i32
    "tpu.region"() ({
      %run_scoped3A_157 = tpu.sem_alloc : memref<!tpu.dma_semaphore, #tpu.memory_space<semaphore_mem>>
      %dma_start3A_158 = arith.constant 0 : i32
      %dma_start3A_159 = tpu.memref_slice %arg7[%run_scoped3A_77, %dma_start3A_158] : memref<40x128xi32, #tpu.memory_space<vmem>> -> memref<1x128xi32, #tpu.memory_space<vmem>>
      %dma_start3A_160 = tpu.memref_squeeze %dma_start3A_159 : memref<1x128xi32, #tpu.memory_space<vmem>> -> memref<128xi32, #tpu.memory_space<vmem>>
      %dma_start3A_161 = arith.constant 0 : i32
      %dma_start3A_162 = arith.constant 0 : i32
      %dma_start3A_163 = tpu.memref_slice %arg11[%dma_start3A_161, %dma_start3A_162] : memref<10112x128xbf16, #tpu.memory_space<vmem_shared>> -> memref<10112x128xbf16, #tpu.memory_space<vmem_shared>>
      tpu.enqueue_indirect_dma source(%arg8 : memref<128x128xbf16, #tpu.memory_space<vmem>>) target(%dma_start3A_163 : memref<10112x128xbf16, #tpu.memory_space<vmem_shared>>) offsets(%dma_start3A_160 : memref<128xi32, #tpu.memory_space<vmem>>) semaphore(%run_scoped3A_157 : memref<!tpu.dma_semaphore, #tpu.memory_space<semaphore_mem>>) {add = true}
      %dma_wait3A_164 = arith.constant 0 : i32
      %dma_wait3A_165 = tpu.memref_slice %arg7[%run_scoped3A_77, %dma_wait3A_164] : memref<40x128xi32, #tpu.memory_space<vmem>> -> memref<1x128xi32, #tpu.memory_space<vmem>>
      %dma_wait3A_166 = tpu.memref_squeeze %dma_wait3A_165 : memref<1x128xi32, #tpu.memory_space<vmem>> -> memref<128xi32, #tpu.memory_space<vmem>>
      %dma_wait3A_167 = arith.constant 0 : i32
      %dma_wait3A_168 = arith.constant 0 : i32
      %dma_wait3A_169 = tpu.memref_slice %arg11[%dma_wait3A_167, %dma_wait3A_168] : memref<10112x128xbf16, #tpu.memory_space<vmem_shared>> -> memref<10112x128xbf16, #tpu.memory_space<vmem_shared>>
      tpu.wait_indirect_dma semaphore(%run_scoped3A_157 : memref<!tpu.dma_semaphore, #tpu.memory_space<semaphore_mem>>) src(%arg8 : memref<128x128xbf16, #tpu.memory_space<vmem>>) dst(%dma_wait3A_169 : memref<10112x128xbf16, #tpu.memory_space<vmem_shared>>)
      tpu.yield
    }) : () -> ()
    %dma_wait3A_78 = arith.constant 39 : i32
    %dma_wait3A_79 = arith.constant 0 : i32
    %dma_wait3A_80 = tpu.memref_slice %arg6[%dma_wait3A_78, %dma_wait3A_79] : memref<40x128xi32, #tpu.memory_space<vmem>> -> memref<1x128xi32, #tpu.memory_space<vmem>>
    %dma_wait3A_81 = tpu.memref_squeeze %dma_wait3A_80 : memref<1x128xi32, #tpu.memory_space<vmem>> -> memref<128xi32, #tpu.memory_space<vmem>>
    %dma_wait3A_82 = arith.constant 0 : i32
    %dma_wait3A_83 = arith.constant 0 : i32
    %dma_wait3A_84 = tpu.memref_slice %arg10[%dma_wait3A_82, %dma_wait3A_83] : memref<10000x128xbf16, #tpu.memory_space<vmem_shared>> -> memref<10000x128xbf16, #tpu.memory_space<vmem_shared>>
    tpu.wait_indirect_dma semaphore(%arg13 : memref<!tpu.dma_semaphore, #tpu.memory_space<semaphore_mem>>) src(%dma_wait3A_84 : memref<10000x128xbf16, #tpu.memory_space<vmem_shared>>) dst(%arg9 : memref<128x128xbf16, #tpu.memory_space<vmem>>)
    %run_scoped3A_85 = arith.constant 39 : i32
    "tpu.region"() ({
      %run_scoped3A_157 = tpu.sem_alloc : memref<!tpu.dma_semaphore, #tpu.memory_space<semaphore_mem>>
      %dma_start3A_158 = arith.constant 0 : i32
      %dma_start3A_159 = tpu.memref_slice %arg7[%run_scoped3A_85, %dma_start3A_158] : memref<40x128xi32, #tpu.memory_space<vmem>> -> memref<1x128xi32, #tpu.memory_space<vmem>>
      %dma_start3A_160 = tpu.memref_squeeze %dma_start3A_159 : memref<1x128xi32, #tpu.memory_space<vmem>> -> memref<128xi32, #tpu.memory_space<vmem>>
      %dma_start3A_161 = arith.constant 0 : i32
      %dma_start3A_162 = arith.constant 0 : i32
      %dma_start3A_163 = tpu.memref_slice %arg11[%dma_start3A_161, %dma_start3A_162] : memref<10112x128xbf16, #tpu.memory_space<vmem_shared>> -> memref<10112x128xbf16, #tpu.memory_space<vmem_shared>>
      tpu.enqueue_indirect_dma source(%arg9 : memref<128x128xbf16, #tpu.memory_space<vmem>>) target(%dma_start3A_163 : memref<10112x128xbf16, #tpu.memory_space<vmem_shared>>) offsets(%dma_start3A_160 : memref<128xi32, #tpu.memory_space<vmem>>) semaphore(%run_scoped3A_157 : memref<!tpu.dma_semaphore, #tpu.memory_space<semaphore_mem>>) {add = true}
      %dma_wait3A_164 = arith.constant 0 : i32
      %dma_wait3A_165 = tpu.memref_slice %arg7[%run_scoped3A_85, %dma_wait3A_164] : memref<40x128xi32, #tpu.memory_space<vmem>> -> memref<1x128xi32, #tpu.memory_space<vmem>>
      %dma_wait3A_166 = tpu.memref_squeeze %dma_wait3A_165 : memref<1x128xi32, #tpu.memory_space<vmem>> -> memref<128xi32, #tpu.memory_space<vmem>>
      %dma_wait3A_167 = arith.constant 0 : i32
      %dma_wait3A_168 = arith.constant 0 : i32
      %dma_wait3A_169 = tpu.memref_slice %arg11[%dma_wait3A_167, %dma_wait3A_168] : memref<10112x128xbf16, #tpu.memory_space<vmem_shared>> -> memref<10112x128xbf16, #tpu.memory_space<vmem_shared>>
      tpu.wait_indirect_dma semaphore(%run_scoped3A_157 : memref<!tpu.dma_semaphore, #tpu.memory_space<semaphore_mem>>) src(%arg9 : memref<128x128xbf16, #tpu.memory_space<vmem>>) dst(%dma_wait3A_169 : memref<10112x128xbf16, #tpu.memory_space<vmem_shared>>)
      tpu.yield
    }) : () -> ()
    "tpu.region"() ({
      %run_scoped3A_157 = tpu.sem_alloc : memref<!tpu.dma_semaphore, #tpu.memory_space<semaphore_mem>>
      %dma_start3A_158 = arith.constant 40 : i32
      %dma_start3A_159 = arith.constant 0 : i32
      %dma_start3A_160 = tpu.memref_slice %arg3[%add3A, %dma_start3A_158, %dma_start3A_159] : memref<32x80x128xi32, #tpu.memory_space<hbm>> -> memref<1x40x128xi32, #tpu.memory_space<hbm>>
      %dma_start3A_161 = tpu.memref_squeeze %dma_start3A_160 : memref<1x40x128xi32, #tpu.memory_space<hbm>> -> memref<40x128xi32, #tpu.memory_space<hbm>>
      %dma_start3A_162 = arith.constant 40 : i32
      %dma_start3A_163 = arith.constant 0 : i32
      %dma_start3A_164 = tpu.memref_slice %arg3[%add3A, %dma_start3A_162, %dma_start3A_163] : memref<32x80x128xi32, #tpu.memory_space<hbm>> -> memref<1x40x128xi32, #tpu.memory_space<hbm>>
      %dma_start3A_165 = tpu.memref_squeeze %dma_start3A_164 : memref<1x40x128xi32, #tpu.memory_space<hbm>> -> memref<40x128xi32, #tpu.memory_space<hbm>>
      tpu.enqueue_dma source(%dma_start3A_165 : memref<40x128xi32, #tpu.memory_space<hbm>>) target(%arg6 : memref<40x128xi32, #tpu.memory_space<vmem>>) target_semaphore(%run_scoped3A_157 : memref<!tpu.dma_semaphore, #tpu.memory_space<semaphore_mem>>)
      %dma_wait3A_166 = arith.constant 40 : i32
      %dma_wait3A_167 = arith.constant 0 : i32
      %dma_wait3A_168 = tpu.memref_slice %arg3[%add3A, %dma_wait3A_166, %dma_wait3A_167] : memref<32x80x128xi32, #tpu.memory_space<hbm>> -> memref<1x40x128xi32, #tpu.memory_space<hbm>>
      %dma_wait3A_169 = tpu.memref_squeeze %dma_wait3A_168 : memref<1x40x128xi32, #tpu.memory_space<hbm>> -> memref<40x128xi32, #tpu.memory_space<hbm>>
      %dma_wait3A_170 = arith.constant 40 : i32
      %dma_wait3A_171 = arith.constant 0 : i32
      %dma_wait3A_172 = tpu.memref_slice %arg3[%add3A, %dma_wait3A_170, %dma_wait3A_171] : memref<32x80x128xi32, #tpu.memory_space<hbm>> -> memref<1x40x128xi32, #tpu.memory_space<hbm>>
      %dma_wait3A_173 = tpu.memref_squeeze %dma_wait3A_172 : memref<1x40x128xi32, #tpu.memory_space<hbm>> -> memref<40x128xi32, #tpu.memory_space<hbm>>
      tpu.wait_dma2 semaphore(%run_scoped3A_157 : memref<!tpu.dma_semaphore, #tpu.memory_space<semaphore_mem>>) src(%dma_wait3A_173 : memref<40x128xi32, #tpu.memory_space<hbm>>) dst(%arg6 : memref<40x128xi32, #tpu.memory_space<vmem>>)
      tpu.yield
    }) : () -> ()
    "tpu.region"() ({
      %run_scoped3A_157 = tpu.sem_alloc : memref<!tpu.dma_semaphore, #tpu.memory_space<semaphore_mem>>
      %dma_start3A_158 = arith.constant 40 : i32
      %dma_start3A_159 = arith.constant 0 : i32
      %dma_start3A_160 = tpu.memref_slice %arg4[%add3A, %dma_start3A_158, %dma_start3A_159] : memref<32x80x128xi32, #tpu.memory_space<hbm>> -> memref<1x40x128xi32, #tpu.memory_space<hbm>>
      %dma_start3A_161 = tpu.memref_squeeze %dma_start3A_160 : memref<1x40x128xi32, #tpu.memory_space<hbm>> -> memref<40x128xi32, #tpu.memory_space<hbm>>
      %dma_start3A_162 = arith.constant 40 : i32
      %dma_start3A_163 = arith.constant 0 : i32
      %dma_start3A_164 = tpu.memref_slice %arg4[%add3A, %dma_start3A_162, %dma_start3A_163] : memref<32x80x128xi32, #tpu.memory_space<hbm>> -> memref<1x40x128xi32, #tpu.memory_space<hbm>>
      %dma_start3A_165 = tpu.memref_squeeze %dma_start3A_164 : memref<1x40x128xi32, #tpu.memory_space<hbm>> -> memref<40x128xi32, #tpu.memory_space<hbm>>
      tpu.enqueue_dma source(%dma_start3A_165 : memref<40x128xi32, #tpu.memory_space<hbm>>) target(%arg7 : memref<40x128xi32, #tpu.memory_space<vmem>>) target_semaphore(%run_scoped3A_157 : memref<!tpu.dma_semaphore, #tpu.memory_space<semaphore_mem>>)
      %dma_wait3A_166 = arith.constant 40 : i32
      %dma_wait3A_167 = arith.constant 0 : i32
      %dma_wait3A_168 = tpu.memref_slice %arg4[%add3A, %dma_wait3A_166, %dma_wait3A_167] : memref<32x80x128xi32, #tpu.memory_space<hbm>> -> memref<1x40x128xi32, #tpu.memory_space<hbm>>
      %dma_wait3A_169 = tpu.memref_squeeze %dma_wait3A_168 : memref<1x40x128xi32, #tpu.memory_space<hbm>> -> memref<40x128xi32, #tpu.memory_space<hbm>>
      %dma_wait3A_170 = arith.constant 40 : i32
      %dma_wait3A_171 = arith.constant 0 : i32
      %dma_wait3A_172 = tpu.memref_slice %arg4[%add3A, %dma_wait3A_170, %dma_wait3A_171] : memref<32x80x128xi32, #tpu.memory_space<hbm>> -> memref<1x40x128xi32, #tpu.memory_space<hbm>>
      %dma_wait3A_173 = tpu.memref_squeeze %dma_wait3A_172 : memref<1x40x128xi32, #tpu.memory_space<hbm>> -> memref<40x128xi32, #tpu.memory_space<hbm>>
      tpu.wait_dma2 semaphore(%run_scoped3A_157 : memref<!tpu.dma_semaphore, #tpu.memory_space<semaphore_mem>>) src(%dma_wait3A_173 : memref<40x128xi32, #tpu.memory_space<hbm>>) dst(%arg7 : memref<40x128xi32, #tpu.memory_space<vmem>>)
      tpu.yield
    }) : () -> ()
    %dma_start3A_86 = arith.constant 0 : i32
    %dma_start3A_87 = arith.constant 0 : i32
    %dma_start3A_88 = tpu.memref_slice %arg6[%dma_start3A_86, %dma_start3A_87] : memref<40x128xi32, #tpu.memory_space<vmem>> -> memref<1x128xi32, #tpu.memory_space<vmem>>
    %dma_start3A_89 = tpu.memref_squeeze %dma_start3A_88 : memref<1x128xi32, #tpu.memory_space<vmem>> -> memref<128xi32, #tpu.memory_space<vmem>>
    %dma_start3A_90 = arith.constant 0 : i32
    %dma_start3A_91 = arith.constant 0 : i32
    %dma_start3A_92 = tpu.memref_slice %arg10[%dma_start3A_90, %dma_start3A_91] : memref<10000x128xbf16, #tpu.memory_space<vmem_shared>> -> memref<10000x128xbf16, #tpu.memory_space<vmem_shared>>
    tpu.enqueue_indirect_dma source(%dma_start3A_92 : memref<10000x128xbf16, #tpu.memory_space<vmem_shared>>) target(%arg8 : memref<128x128xbf16, #tpu.memory_space<vmem>>) offsets(%dma_start3A_89 : memref<128xi32, #tpu.memory_space<vmem>>) semaphore(%arg12 : memref<!tpu.dma_semaphore, #tpu.memory_space<semaphore_mem>>)
    %dma_start3A_93 = arith.constant 1 : i32
    %dma_start3A_94 = arith.constant 0 : i32
    %dma_start3A_95 = tpu.memref_slice %arg6[%dma_start3A_93, %dma_start3A_94] : memref<40x128xi32, #tpu.memory_space<vmem>> -> memref<1x128xi32, #tpu.memory_space<vmem>>
    %dma_start3A_96 = tpu.memref_squeeze %dma_start3A_95 : memref<1x128xi32, #tpu.memory_space<vmem>> -> memref<128xi32, #tpu.memory_space<vmem>>
    %dma_start3A_97 = arith.constant 0 : i32
    %dma_start3A_98 = arith.constant 0 : i32
    %dma_start3A_99 = tpu.memref_slice %arg10[%dma_start3A_97, %dma_start3A_98] : memref<10000x128xbf16, #tpu.memory_space<vmem_shared>> -> memref<10000x128xbf16, #tpu.memory_space<vmem_shared>>
    tpu.enqueue_indirect_dma source(%dma_start3A_99 : memref<10000x128xbf16, #tpu.memory_space<vmem_shared>>) target(%arg9 : memref<128x128xbf16, #tpu.memory_space<vmem>>) offsets(%dma_start3A_96 : memref<128xi32, #tpu.memory_space<vmem>>) semaphore(%arg13 : memref<!tpu.dma_semaphore, #tpu.memory_space<semaphore_mem>>)
    %scan3A_100 = arith.constant 0 : i32
    %scan3A_101 = arith.constant 0 : i32
    %scan3A_102 = arith.constant 18 : i32
    %scan3A_103 = arith.addi %scan3A_101, %scan3A_102 : i32
    %scan3A_104 = arith.constant 1 : i32
    scf.for %scan3A_157 = %scan3A_101 to %scan3A_103 step %scan3A_104  : i32 {
      %mul3A_158 = arith.constant 2 : i32
      %mul3A_159 = arith.muli %scan3A_157, %mul3A_158 : i32
      %dma_wait3A_160 = arith.constant 0 : i32
      %dma_wait3A_161 = tpu.memref_slice %arg6[%mul3A_159, %dma_wait3A_160] : memref<40x128xi32, #tpu.memory_space<vmem>> -> memref<1x128xi32, #tpu.memory_space<vmem>>
      %dma_wait3A_162 = tpu.memref_squeeze %dma_wait3A_161 : memref<1x128xi32, #tpu.memory_space<vmem>> -> memref<128xi32, #tpu.memory_space<vmem>>
      %dma_wait3A_163 = arith.constant 0 : i32
      %dma_wait3A_164 = arith.constant 0 : i32
      %dma_wait3A_165 = tpu.memref_slice %arg10[%dma_wait3A_163, %dma_wait3A_164] : memref<10000x128xbf16, #tpu.memory_space<vmem_shared>> -> memref<10000x128xbf16, #tpu.memory_space<vmem_shared>>
      tpu.wait_indirect_dma semaphore(%arg12 : memref<!tpu.dma_semaphore, #tpu.memory_space<semaphore_mem>>) src(%dma_wait3A_165 : memref<10000x128xbf16, #tpu.memory_space<vmem_shared>>) dst(%arg8 : memref<128x128xbf16, #tpu.memory_space<vmem>>)
      "tpu.region"() ({
        %run_scoped3A_192 = tpu.sem_alloc : memref<!tpu.dma_semaphore, #tpu.memory_space<semaphore_mem>>
        %dma_start3A_193 = arith.constant 0 : i32
        %dma_start3A_194 = tpu.memref_slice %arg7[%mul3A_159, %dma_start3A_193] : memref<40x128xi32, #tpu.memory_space<vmem>> -> memref<1x128xi32, #tpu.memory_space<vmem>>
        %dma_start3A_195 = tpu.memref_squeeze %dma_start3A_194 : memref<1x128xi32, #tpu.memory_space<vmem>> -> memref<128xi32, #tpu.memory_space<vmem>>
        %dma_start3A_196 = arith.constant 0 : i32
        %dma_start3A_197 = arith.constant 0 : i32
        %dma_start3A_198 = tpu.memref_slice %arg11[%dma_start3A_196, %dma_start3A_197] : memref<10112x128xbf16, #tpu.memory_space<vmem_shared>> -> memref<10112x128xbf16, #tpu.memory_space<vmem_shared>>
        tpu.enqueue_indirect_dma source(%arg8 : memref<128x128xbf16, #tpu.memory_space<vmem>>) target(%dma_start3A_198 : memref<10112x128xbf16, #tpu.memory_space<vmem_shared>>) offsets(%dma_start3A_195 : memref<128xi32, #tpu.memory_space<vmem>>) semaphore(%run_scoped3A_192 : memref<!tpu.dma_semaphore, #tpu.memory_space<semaphore_mem>>) {add = true}
        %dma_wait3A_199 = arith.constant 0 : i32
        %dma_wait3A_200 = tpu.memref_slice %arg7[%mul3A_159, %dma_wait3A_199] : memref<40x128xi32, #tpu.memory_space<vmem>> -> memref<1x128xi32, #tpu.memory_space<vmem>>
        %dma_wait3A_201 = tpu.memref_squeeze %dma_wait3A_200 : memref<1x128xi32, #tpu.memory_space<vmem>> -> memref<128xi32, #tpu.memory_space<vmem>>
        %dma_wait3A_202 = arith.constant 0 : i32
        %dma_wait3A_203 = arith.constant 0 : i32
        %dma_wait3A_204 = tpu.memref_slice %arg11[%dma_wait3A_202, %dma_wait3A_203] : memref<10112x128xbf16, #tpu.memory_space<vmem_shared>> -> memref<10112x128xbf16, #tpu.memory_space<vmem_shared>>
        tpu.wait_indirect_dma semaphore(%run_scoped3A_192 : memref<!tpu.dma_semaphore, #tpu.memory_space<semaphore_mem>>) src(%arg8 : memref<128x128xbf16, #tpu.memory_space<vmem>>) dst(%dma_wait3A_204 : memref<10112x128xbf16, #tpu.memory_space<vmem_shared>>)
        tpu.yield
      }) : () -> ()
      %add3A_166 = arith.constant 2 : i32
      %add3A_167 = arith.addi %mul3A_159, %add3A_166 : i32
      %dma_start3A_168 = arith.constant 0 : i32
      %dma_start3A_169 = tpu.memref_slice %arg6[%add3A_167, %dma_start3A_168] : memref<40x128xi32, #tpu.memory_space<vmem>> -> memref<1x128xi32, #tpu.memory_space<vmem>>
      %dma_start3A_170 = tpu.memref_squeeze %dma_start3A_169 : memref<1x128xi32, #tpu.memory_space<vmem>> -> memref<128xi32, #tpu.memory_space<vmem>>
      %dma_start3A_171 = arith.constant 0 : i32
      %dma_start3A_172 = arith.constant 0 : i32
      %dma_start3A_173 = tpu.memref_slice %arg10[%dma_start3A_171, %dma_start3A_172] : memref<10000x128xbf16, #tpu.memory_space<vmem_shared>> -> memref<10000x128xbf16, #tpu.memory_space<vmem_shared>>
      tpu.enqueue_indirect_dma source(%dma_start3A_173 : memref<10000x128xbf16, #tpu.memory_space<vmem_shared>>) target(%arg8 : memref<128x128xbf16, #tpu.memory_space<vmem>>) offsets(%dma_start3A_170 : memref<128xi32, #tpu.memory_space<vmem>>) semaphore(%arg12 : memref<!tpu.dma_semaphore, #tpu.memory_space<semaphore_mem>>)
      %add3A_174 = arith.constant 1 : i32
      %add3A_175 = arith.addi %mul3A_159, %add3A_174 : i32
      %dma_wait3A_176 = arith.constant 0 : i32
      %dma_wait3A_177 = tpu.memref_slice %arg6[%add3A_175, %dma_wait3A_176] : memref<40x128xi32, #tpu.memory_space<vmem>> -> memref<1x128xi32, #tpu.memory_space<vmem>>
      %dma_wait3A_178 = tpu.memref_squeeze %dma_wait3A_177 : memref<1x128xi32, #tpu.memory_space<vmem>> -> memref<128xi32, #tpu.memory_space<vmem>>
      %dma_wait3A_179 = arith.constant 0 : i32
      %dma_wait3A_180 = arith.constant 0 : i32
      %dma_wait3A_181 = tpu.memref_slice %arg10[%dma_wait3A_179, %dma_wait3A_180] : memref<10000x128xbf16, #tpu.memory_space<vmem_shared>> -> memref<10000x128xbf16, #tpu.memory_space<vmem_shared>>
      tpu.wait_indirect_dma semaphore(%arg13 : memref<!tpu.dma_semaphore, #tpu.memory_space<semaphore_mem>>) src(%dma_wait3A_181 : memref<10000x128xbf16, #tpu.memory_space<vmem_shared>>) dst(%arg9 : memref<128x128xbf16, #tpu.memory_space<vmem>>)
      %add3A_182 = arith.constant 1 : i32
      %add3A_183 = arith.addi %mul3A_159, %add3A_182 : i32
      "tpu.region"() ({
        %run_scoped3A_192 = tpu.sem_alloc : memref<!tpu.dma_semaphore, #tpu.memory_space<semaphore_mem>>
        %dma_start3A_193 = arith.constant 0 : i32
        %dma_start3A_194 = tpu.memref_slice %arg7[%add3A_183, %dma_start3A_193] : memref<40x128xi32, #tpu.memory_space<vmem>> -> memref<1x128xi32, #tpu.memory_space<vmem>>
        %dma_start3A_195 = tpu.memref_squeeze %dma_start3A_194 : memref<1x128xi32, #tpu.memory_space<vmem>> -> memref<128xi32, #tpu.memory_space<vmem>>
        %dma_start3A_196 = arith.constant 0 : i32
        %dma_start3A_197 = arith.constant 0 : i32
        %dma_start3A_198 = tpu.memref_slice %arg11[%dma_start3A_196, %dma_start3A_197] : memref<10112x128xbf16, #tpu.memory_space<vmem_shared>> -> memref<10112x128xbf16, #tpu.memory_space<vmem_shared>>
        tpu.enqueue_indirect_dma source(%arg9 : memref<128x128xbf16, #tpu.memory_space<vmem>>) target(%dma_start3A_198 : memref<10112x128xbf16, #tpu.memory_space<vmem_shared>>) offsets(%dma_start3A_195 : memref<128xi32, #tpu.memory_space<vmem>>) semaphore(%run_scoped3A_192 : memref<!tpu.dma_semaphore, #tpu.memory_space<semaphore_mem>>) {add = true}
        %dma_wait3A_199 = arith.constant 0 : i32
        %dma_wait3A_200 = tpu.memref_slice %arg7[%add3A_183, %dma_wait3A_199] : memref<40x128xi32, #tpu.memory_space<vmem>> -> memref<1x128xi32, #tpu.memory_space<vmem>>
        %dma_wait3A_201 = tpu.memref_squeeze %dma_wait3A_200 : memref<1x128xi32, #tpu.memory_space<vmem>> -> memref<128xi32, #tpu.memory_space<vmem>>
        %dma_wait3A_202 = arith.constant 0 : i32
        %dma_wait3A_203 = arith.constant 0 : i32
        %dma_wait3A_204 = tpu.memref_slice %arg11[%dma_wait3A_202, %dma_wait3A_203] : memref<10112x128xbf16, #tpu.memory_space<vmem_shared>> -> memref<10112x128xbf16, #tpu.memory_space<vmem_shared>>
        tpu.wait_indirect_dma semaphore(%run_scoped3A_192 : memref<!tpu.dma_semaphore, #tpu.memory_space<semaphore_mem>>) src(%arg9 : memref<128x128xbf16, #tpu.memory_space<vmem>>) dst(%dma_wait3A_204 : memref<10112x128xbf16, #tpu.memory_space<vmem_shared>>)
        tpu.yield
      }) : () -> ()
      %add3A_184 = arith.constant 3 : i32
      %add3A_185 = arith.addi %mul3A_159, %add3A_184 : i32
      %dma_start3A_186 = arith.constant 0 : i32
      %dma_start3A_187 = tpu.memref_slice %arg6[%add3A_185, %dma_start3A_186] : memref<40x128xi32, #tpu.memory_space<vmem>> -> memref<1x128xi32, #tpu.memory_space<vmem>>
      %dma_start3A_188 = tpu.memref_squeeze %dma_start3A_187 : memref<1x128xi32, #tpu.memory_space<vmem>> -> memref<128xi32, #tpu.memory_space<vmem>>
      %dma_start3A_189 = arith.constant 0 : i32
      %dma_start3A_190 = arith.constant 0 : i32
      %dma_start3A_191 = tpu.memref_slice %arg10[%dma_start3A_189, %dma_start3A_190] : memref<10000x128xbf16, #tpu.memory_space<vmem_shared>> -> memref<10000x128xbf16, #tpu.memory_space<vmem_shared>>
      tpu.enqueue_indirect_dma source(%dma_start3A_191 : memref<10000x128xbf16, #tpu.memory_space<vmem_shared>>) target(%arg9 : memref<128x128xbf16, #tpu.memory_space<vmem>>) offsets(%dma_start3A_188 : memref<128xi32, #tpu.memory_space<vmem>>) semaphore(%arg13 : memref<!tpu.dma_semaphore, #tpu.memory_space<semaphore_mem>>)
    }
    %scan3A_105 = arith.constant 18 : i32
    %dma_wait3A_106 = arith.constant 36 : i32
    %dma_wait3A_107 = arith.constant 0 : i32
    %dma_wait3A_108 = tpu.memref_slice %arg6[%dma_wait3A_106, %dma_wait3A_107] : memref<40x128xi32, #tpu.memory_space<vmem>> -> memref<1x128xi32, #tpu.memory_space<vmem>>
    %dma_wait3A_109 = tpu.memref_squeeze %dma_wait3A_108 : memref<1x128xi32, #tpu.memory_space<vmem>> -> memref<128xi32, #tpu.memory_space<vmem>>
    %dma_wait3A_110 = arith.constant 0 : i32
    %dma_wait3A_111 = arith.constant 0 : i32
    %dma_wait3A_112 = tpu.memref_slice %arg10[%dma_wait3A_110, %dma_wait3A_111] : memref<10000x128xbf16, #tpu.memory_space<vmem_shared>> -> memref<10000x128xbf16, #tpu.memory_space<vmem_shared>>
    tpu.wait_indirect_dma semaphore(%arg12 : memref<!tpu.dma_semaphore, #tpu.memory_space<semaphore_mem>>) src(%dma_wait3A_112 : memref<10000x128xbf16, #tpu.memory_space<vmem_shared>>) dst(%arg8 : memref<128x128xbf16, #tpu.memory_space<vmem>>)
    %run_scoped3A_113 = arith.constant 36 : i32
    "tpu.region"() ({
      %run_scoped3A_157 = tpu.sem_alloc : memref<!tpu.dma_semaphore, #tpu.memory_space<semaphore_mem>>
      %dma_start3A_158 = arith.constant 0 : i32
      %dma_start3A_159 = tpu.memref_slice %arg7[%run_scoped3A_113, %dma_start3A_158] : memref<40x128xi32, #tpu.memory_space<vmem>> -> memref<1x128xi32, #tpu.memory_space<vmem>>
      %dma_start3A_160 = tpu.memref_squeeze %dma_start3A_159 : memref<1x128xi32, #tpu.memory_space<vmem>> -> memref<128xi32, #tpu.memory_space<vmem>>
      %dma_start3A_161 = arith.constant 0 : i32
      %dma_start3A_162 = arith.constant 0 : i32
      %dma_start3A_163 = tpu.memref_slice %arg11[%dma_start3A_161, %dma_start3A_162] : memref<10112x128xbf16, #tpu.memory_space<vmem_shared>> -> memref<10112x128xbf16, #tpu.memory_space<vmem_shared>>
      tpu.enqueue_indirect_dma source(%arg8 : memref<128x128xbf16, #tpu.memory_space<vmem>>) target(%dma_start3A_163 : memref<10112x128xbf16, #tpu.memory_space<vmem_shared>>) offsets(%dma_start3A_160 : memref<128xi32, #tpu.memory_space<vmem>>) semaphore(%run_scoped3A_157 : memref<!tpu.dma_semaphore, #tpu.memory_space<semaphore_mem>>) {add = true}
      %dma_wait3A_164 = arith.constant 0 : i32
      %dma_wait3A_165 = tpu.memref_slice %arg7[%run_scoped3A_113, %dma_wait3A_164] : memref<40x128xi32, #tpu.memory_space<vmem>> -> memref<1x128xi32, #tpu.memory_space<vmem>>
      %dma_wait3A_166 = tpu.memref_squeeze %dma_wait3A_165 : memref<1x128xi32, #tpu.memory_space<vmem>> -> memref<128xi32, #tpu.memory_space<vmem>>
      %dma_wait3A_167 = arith.constant 0 : i32
      %dma_wait3A_168 = arith.constant 0 : i32
      %dma_wait3A_169 = tpu.memref_slice %arg11[%dma_wait3A_167, %dma_wait3A_168] : memref<10112x128xbf16, #tpu.memory_space<vmem_shared>> -> memref<10112x128xbf16, #tpu.memory_space<vmem_shared>>
      tpu.wait_indirect_dma semaphore(%run_scoped3A_157 : memref<!tpu.dma_semaphore, #tpu.memory_space<semaphore_mem>>) src(%arg8 : memref<128x128xbf16, #tpu.memory_space<vmem>>) dst(%dma_wait3A_169 : memref<10112x128xbf16, #tpu.memory_space<vmem_shared>>)
      tpu.yield
    }) : () -> ()
    %dma_start3A_114 = arith.constant 38 : i32
    %dma_start3A_115 = arith.constant 0 : i32
    %dma_start3A_116 = tpu.memref_slice %arg6[%dma_start3A_114, %dma_start3A_115] : memref<40x128xi32, #tpu.memory_space<vmem>> -> memref<1x128xi32, #tpu.memory_space<vmem>>
    %dma_start3A_117 = tpu.memref_squeeze %dma_start3A_116 : memref<1x128xi32, #tpu.memory_space<vmem>> -> memref<128xi32, #tpu.memory_space<vmem>>
    %dma_start3A_118 = arith.constant 0 : i32
    %dma_start3A_119 = arith.constant 0 : i32
    %dma_start3A_120 = tpu.memref_slice %arg10[%dma_start3A_118, %dma_start3A_119] : memref<10000x128xbf16, #tpu.memory_space<vmem_shared>> -> memref<10000x128xbf16, #tpu.memory_space<vmem_shared>>
    tpu.enqueue_indirect_dma source(%dma_start3A_120 : memref<10000x128xbf16, #tpu.memory_space<vmem_shared>>) target(%arg8 : memref<128x128xbf16, #tpu.memory_space<vmem>>) offsets(%dma_start3A_117 : memref<128xi32, #tpu.memory_space<vmem>>) semaphore(%arg12 : memref<!tpu.dma_semaphore, #tpu.memory_space<semaphore_mem>>)
    %dma_wait3A_121 = arith.constant 37 : i32
    %dma_wait3A_122 = arith.constant 0 : i32
    %dma_wait3A_123 = tpu.memref_slice %arg6[%dma_wait3A_121, %dma_wait3A_122] : memref<40x128xi32, #tpu.memory_space<vmem>> -> memref<1x128xi32, #tpu.memory_space<vmem>>
    %dma_wait3A_124 = tpu.memref_squeeze %dma_wait3A_123 : memref<1x128xi32, #tpu.memory_space<vmem>> -> memref<128xi32, #tpu.memory_space<vmem>>
    %dma_wait3A_125 = arith.constant 0 : i32
    %dma_wait3A_126 = arith.constant 0 : i32
    %dma_wait3A_127 = tpu.memref_slice %arg10[%dma_wait3A_125, %dma_wait3A_126] : memref<10000x128xbf16, #tpu.memory_space<vmem_shared>> -> memref<10000x128xbf16, #tpu.memory_space<vmem_shared>>
    tpu.wait_indirect_dma semaphore(%arg13 : memref<!tpu.dma_semaphore, #tpu.memory_space<semaphore_mem>>) src(%dma_wait3A_127 : memref<10000x128xbf16, #tpu.memory_space<vmem_shared>>) dst(%arg9 : memref<128x128xbf16, #tpu.memory_space<vmem>>)
    %run_scoped3A_128 = arith.constant 37 : i32
    "tpu.region"() ({
      %run_scoped3A_157 = tpu.sem_alloc : memref<!tpu.dma_semaphore, #tpu.memory_space<semaphore_mem>>
      %dma_start3A_158 = arith.constant 0 : i32
      %dma_start3A_159 = tpu.memref_slice %arg7[%run_scoped3A_128, %dma_start3A_158] : memref<40x128xi32, #tpu.memory_space<vmem>> -> memref<1x128xi32, #tpu.memory_space<vmem>>
      %dma_start3A_160 = tpu.memref_squeeze %dma_start3A_159 : memref<1x128xi32, #tpu.memory_space<vmem>> -> memref<128xi32, #tpu.memory_space<vmem>>
      %dma_start3A_161 = arith.constant 0 : i32
      %dma_start3A_162 = arith.constant 0 : i32
      %dma_start3A_163 = tpu.memref_slice %arg11[%dma_start3A_161, %dma_start3A_162] : memref<10112x128xbf16, #tpu.memory_space<vmem_shared>> -> memref<10112x128xbf16, #tpu.memory_space<vmem_shared>>
      tpu.enqueue_indirect_dma source(%arg9 : memref<128x128xbf16, #tpu.memory_space<vmem>>) target(%dma_start3A_163 : memref<10112x128xbf16, #tpu.memory_space<vmem_shared>>) offsets(%dma_start3A_160 : memref<128xi32, #tpu.memory_space<vmem>>) semaphore(%run_scoped3A_157 : memref<!tpu.dma_semaphore, #tpu.memory_space<semaphore_mem>>) {add = true}
      %dma_wait3A_164 = arith.constant 0 : i32
      %dma_wait3A_165 = tpu.memref_slice %arg7[%run_scoped3A_128, %dma_wait3A_164] : memref<40x128xi32, #tpu.memory_space<vmem>> -> memref<1x128xi32, #tpu.memory_space<vmem>>
      %dma_wait3A_166 = tpu.memref_squeeze %dma_wait3A_165 : memref<1x128xi32, #tpu.memory_space<vmem>> -> memref<128xi32, #tpu.memory_space<vmem>>
      %dma_wait3A_167 = arith.constant 0 : i32
      %dma_wait3A_168 = arith.constant 0 : i32
      %dma_wait3A_169 = tpu.memref_slice %arg11[%dma_wait3A_167, %dma_wait3A_168] : memref<10112x128xbf16, #tpu.memory_space<vmem_shared>> -> memref<10112x128xbf16, #tpu.memory_space<vmem_shared>>
      tpu.wait_indirect_dma semaphore(%run_scoped3A_157 : memref<!tpu.dma_semaphore, #tpu.memory_space<semaphore_mem>>) src(%arg9 : memref<128x128xbf16, #tpu.memory_space<vmem>>) dst(%dma_wait3A_169 : memref<10112x128xbf16, #tpu.memory_space<vmem_shared>>)
      tpu.yield
    }) : () -> ()
    %dma_start3A_129 = arith.constant 39 : i32
    %dma_start3A_130 = arith.constant 0 : i32
    %dma_start3A_131 = tpu.memref_slice %arg6[%dma_start3A_129, %dma_start3A_130] : memref<40x128xi32, #tpu.memory_space<vmem>> -> memref<1x128xi32, #tpu.memory_space<vmem>>
    %dma_start3A_132 = tpu.memref_squeeze %dma_start3A_131 : memref<1x128xi32, #tpu.memory_space<vmem>> -> memref<128xi32, #tpu.memory_space<vmem>>
    %dma_start3A_133 = arith.constant 0 : i32
    %dma_start3A_134 = arith.constant 0 : i32
    %dma_start3A_135 = tpu.memref_slice %arg10[%dma_start3A_133, %dma_start3A_134] : memref<10000x128xbf16, #tpu.memory_space<vmem_shared>> -> memref<10000x128xbf16, #tpu.memory_space<vmem_shared>>
    tpu.enqueue_indirect_dma source(%dma_start3A_135 : memref<10000x128xbf16, #tpu.memory_space<vmem_shared>>) target(%arg9 : memref<128x128xbf16, #tpu.memory_space<vmem>>) offsets(%dma_start3A_132 : memref<128xi32, #tpu.memory_space<vmem>>) semaphore(%arg13 : memref<!tpu.dma_semaphore, #tpu.memory_space<semaphore_mem>>)
    %dma_wait3A_136 = arith.constant 38 : i32
    %dma_wait3A_137 = arith.constant 0 : i32
    %dma_wait3A_138 = tpu.memref_slice %arg6[%dma_wait3A_136, %dma_wait3A_137] : memref<40x128xi32, #tpu.memory_space<vmem>> -> memref<1x128xi32, #tpu.memory_space<vmem>>
    %dma_wait3A_139 = tpu.memref_squeeze %dma_wait3A_138 : memref<1x128xi32, #tpu.memory_space<vmem>> -> memref<128xi32, #tpu.memory_space<vmem>>
    %dma_wait3A_140 = arith.constant 0 : i32
    %dma_wait3A_141 = arith.constant 0 : i32
    %dma_wait3A_142 = tpu.memref_slice %arg10[%dma_wait3A_140, %dma_wait3A_141] : memref<10000x128xbf16, #tpu.memory_space<vmem_shared>> -> memref<10000x128xbf16, #tpu.memory_space<vmem_shared>>
    tpu.wait_indirect_dma semaphore(%arg12 : memref<!tpu.dma_semaphore, #tpu.memory_space<semaphore_mem>>) src(%dma_wait3A_142 : memref<10000x128xbf16, #tpu.memory_space<vmem_shared>>) dst(%arg8 : memref<128x128xbf16, #tpu.memory_space<vmem>>)
    %run_scoped3A_143 = arith.constant 38 : i32
    "tpu.region"() ({
      %run_scoped3A_157 = tpu.sem_alloc : memref<!tpu.dma_semaphore, #tpu.memory_space<semaphore_mem>>
      %dma_start3A_158 = arith.constant 0 : i32
      %dma_start3A_159 = tpu.memref_slice %arg7[%run_scoped3A_143, %dma_start3A_158] : memref<40x128xi32, #tpu.memory_space<vmem>> -> memref<1x128xi32, #tpu.memory_space<vmem>>
      %dma_start3A_160 = tpu.memref_squeeze %dma_start3A_159 : memref<1x128xi32, #tpu.memory_space<vmem>> -> memref<128xi32, #tpu.memory_space<vmem>>
      %dma_start3A_161 = arith.constant 0 : i32
      %dma_start3A_162 = arith.constant 0 : i32
      %dma_start3A_163 = tpu.memref_slice %arg11[%dma_start3A_161, %dma_start3A_162] : memref<10112x128xbf16, #tpu.memory_space<vmem_shared>> -> memref<10112x128xbf16, #tpu.memory_space<vmem_shared>>
      tpu.enqueue_indirect_dma source(%arg8 : memref<128x128xbf16, #tpu.memory_space<vmem>>) target(%dma_start3A_163 : memref<10112x128xbf16, #tpu.memory_space<vmem_shared>>) offsets(%dma_start3A_160 : memref<128xi32, #tpu.memory_space<vmem>>) semaphore(%run_scoped3A_157 : memref<!tpu.dma_semaphore, #tpu.memory_space<semaphore_mem>>) {add = true}
      %dma_wait3A_164 = arith.constant 0 : i32
      %dma_wait3A_165 = tpu.memref_slice %arg7[%run_scoped3A_143, %dma_wait3A_164] : memref<40x128xi32, #tpu.memory_space<vmem>> -> memref<1x128xi32, #tpu.memory_space<vmem>>
      %dma_wait3A_166 = tpu.memref_squeeze %dma_wait3A_165 : memref<1x128xi32, #tpu.memory_space<vmem>> -> memref<128xi32, #tpu.memory_space<vmem>>
      %dma_wait3A_167 = arith.constant 0 : i32
      %dma_wait3A_168 = arith.constant 0 : i32
      %dma_wait3A_169 = tpu.memref_slice %arg11[%dma_wait3A_167, %dma_wait3A_168] : memref<10112x128xbf16, #tpu.memory_space<vmem_shared>> -> memref<10112x128xbf16, #tpu.memory_space<vmem_shared>>
      tpu.wait_indirect_dma semaphore(%run_scoped3A_157 : memref<!tpu.dma_semaphore, #tpu.memory_space<semaphore_mem>>) src(%arg8 : memref<128x128xbf16, #tpu.memory_space<vmem>>) dst(%dma_wait3A_169 : memref<10112x128xbf16, #tpu.memory_space<vmem_shared>>)
      tpu.yield
    }) : () -> ()
    %dma_wait3A_144 = arith.constant 39 : i32
    %dma_wait3A_145 = arith.constant 0 : i32
    %dma_wait3A_146 = tpu.memref_slice %arg6[%dma_wait3A_144, %dma_wait3A_145] : memref<40x128xi32, #tpu.memory_space<vmem>> -> memref<1x128xi32, #tpu.memory_space<vmem>>
    %dma_wait3A_147 = tpu.memref_squeeze %dma_wait3A_146 : memref<1x128xi32, #tpu.memory_space<vmem>> -> memref<128xi32, #tpu.memory_space<vmem>>
    %dma_wait3A_148 = arith.constant 0 : i32
    %dma_wait3A_149 = arith.constant 0 : i32
    %dma_wait3A_150 = tpu.memref_slice %arg10[%dma_wait3A_148, %dma_wait3A_149] : memref<10000x128xbf16, #tpu.memory_space<vmem_shared>> -> memref<10000x128xbf16, #tpu.memory_space<vmem_shared>>
    tpu.wait_indirect_dma semaphore(%arg13 : memref<!tpu.dma_semaphore, #tpu.memory_space<semaphore_mem>>) src(%dma_wait3A_150 : memref<10000x128xbf16, #tpu.memory_space<vmem_shared>>) dst(%arg9 : memref<128x128xbf16, #tpu.memory_space<vmem>>)
    %run_scoped3A_151 = arith.constant 39 : i32
    "tpu.region"() ({
      %run_scoped3A_157 = tpu.sem_alloc : memref<!tpu.dma_semaphore, #tpu.memory_space<semaphore_mem>>
      %dma_start3A_158 = arith.constant 0 : i32
      %dma_start3A_159 = tpu.memref_slice %arg7[%run_scoped3A_151, %dma_start3A_158] : memref<40x128xi32, #tpu.memory_space<vmem>> -> memref<1x128xi32, #tpu.memory_space<vmem>>
      %dma_start3A_160 = tpu.memref_squeeze %dma_start3A_159 : memref<1x128xi32, #tpu.memory_space<vmem>> -> memref<128xi32, #tpu.memory_space<vmem>>
      %dma_start3A_161 = arith.constant 0 : i32
      %dma_start3A_162 = arith.constant 0 : i32
      %dma_start3A_163 = tpu.memref_slice %arg11[%dma_start3A_161, %dma_start3A_162] : memref<10112x128xbf16, #tpu.memory_space<vmem_shared>> -> memref<10112x128xbf16, #tpu.memory_space<vmem_shared>>
      tpu.enqueue_indirect_dma source(%arg9 : memref<128x128xbf16, #tpu.memory_space<vmem>>) target(%dma_start3A_163 : memref<10112x128xbf16, #tpu.memory_space<vmem_shared>>) offsets(%dma_start3A_160 : memref<128xi32, #tpu.memory_space<vmem>>) semaphore(%run_scoped3A_157 : memref<!tpu.dma_semaphore, #tpu.memory_space<semaphore_mem>>) {add = true}
      %dma_wait3A_164 = arith.constant 0 : i32
      %dma_wait3A_165 = tpu.memref_slice %arg7[%run_scoped3A_151, %dma_wait3A_164] : memref<40x128xi32, #tpu.memory_space<vmem>> -> memref<1x128xi32, #tpu.memory_space<vmem>>
      %dma_wait3A_166 = tpu.memref_squeeze %dma_wait3A_165 : memref<1x128xi32, #tpu.memory_space<vmem>> -> memref<128xi32, #tpu.memory_space<vmem>>
      %dma_wait3A_167 = arith.constant 0 : i32
      %dma_wait3A_168 = arith.constant 0 : i32
      %dma_wait3A_169 = tpu.memref_slice %arg11[%dma_wait3A_167, %dma_wait3A_168] : memref<10112x128xbf16, #tpu.memory_space<vmem_shared>> -> memref<10112x128xbf16, #tpu.memory_space<vmem_shared>>
      tpu.wait_indirect_dma semaphore(%run_scoped3A_157 : memref<!tpu.dma_semaphore, #tpu.memory_space<semaphore_mem>>) src(%arg9 : memref<128x128xbf16, #tpu.memory_space<vmem>>) dst(%dma_wait3A_169 : memref<10112x128xbf16, #tpu.memory_space<vmem_shared>>)
      tpu.yield
    }) : () -> ()
    %barrier3A_152 = arith.constant 0 : index
    tpu.barrier barrier_id(%barrier3A_152)
    %mul3A_153 = arith.constant 632 : i32
    %mul3A_154 = arith.muli %arg1, %mul3A_153 : i32
    %mul3A_155 = arith.constant 632 : i32
    %mul3A_156 = arith.muli %arg1, %mul3A_155 : i32
    "tpu.region"() ({
      %run_scoped3A_157 = tpu.sem_alloc : memref<!tpu.dma_semaphore, #tpu.memory_space<semaphore_mem>>
      %dma_start3A_158 = arith.constant 0 : i32
      %dma_start3A_159 = tpu.memref_slice %arg5[%arg0, %mul3A_156, %dma_start3A_158] : memref<2x10112x128xbf16, #tpu.memory_space<hbm>> -> memref<1x632x128xbf16, #tpu.memory_space<hbm>>
      %dma_start3A_160 = tpu.memref_squeeze %dma_start3A_159 : memref<1x632x128xbf16, #tpu.memory_space<hbm>> -> memref<632x128xbf16, #tpu.memory_space<hbm>>
      %dma_start3A_161 = arith.constant 0 : i32
      %dma_start3A_162 = tpu.memref_slice %arg11[%mul3A_154, %dma_start3A_161] : memref<10112x128xbf16, #tpu.memory_space<vmem_shared>> -> memref<632x128xbf16, #tpu.memory_space<vmem_shared>>
      tpu.enqueue_dma source(%dma_start3A_162 : memref<632x128xbf16, #tpu.memory_space<vmem_shared>>) target(%dma_start3A_160 : memref<632x128xbf16, #tpu.memory_space<hbm>>) target_semaphore(%run_scoped3A_157 : memref<!tpu.dma_semaphore, #tpu.memory_space<semaphore_mem>>)
      %dma_wait3A_163 = arith.constant 0 : i32
      %dma_wait3A_164 = tpu.memref_slice %arg5[%arg0, %mul3A_156, %dma_wait3A_163] : memref<2x10112x128xbf16, #tpu.memory_space<hbm>> -> memref<1x632x128xbf16, #tpu.memory_space<hbm>>
      %dma_wait3A_165 = tpu.memref_squeeze %dma_wait3A_164 : memref<1x632x128xbf16, #tpu.memory_space<hbm>> -> memref<632x128xbf16, #tpu.memory_space<hbm>>
      %dma_wait3A_166 = arith.constant 0 : i32
      %dma_wait3A_167 = tpu.memref_slice %arg11[%mul3A_154, %dma_wait3A_166] : memref<10112x128xbf16, #tpu.memory_space<vmem_shared>> -> memref<632x128xbf16, #tpu.memory_space<vmem_shared>>
      tpu.wait_dma2 semaphore(%run_scoped3A_157 : memref<!tpu.dma_semaphore, #tpu.memory_space<semaphore_mem>>) src(%dma_wait3A_167 : memref<632x128xbf16, #tpu.memory_space<vmem_shared>>) dst(%dma_wait3A_165 : memref<632x128xbf16, #tpu.memory_space<hbm>>)
      tpu.yield
    }) : () -> ()
    return
  }
}

#map = affine_map<(d0, d1) -> (0, 0, 0)>
module attributes {stable_mosaic.version = 14 : i64} {
  func.func @_sc_hist(%arg0: i32, %arg1: i32, %arg2: memref<32x80x128xi32, #tpu.memory_space<hbm>>, %arg3: memref<2x10112x16xf32, #tpu.memory_space<hbm>>, %arg4: memref<80x128xi32, #tpu.memory_space<vmem>>, %arg5: memref<128x16xf32, #tpu.memory_space<vmem>>, %arg6: memref<128x16xf32, #tpu.memory_space<vmem>>, %arg7: memref<10112x16xf32, #tpu.memory_space<vmem_shared>>) attributes {dimension_semantics = [#tpu.dimension_semantics<core_parallel>, #tpu.dimension_semantics<subcore_parallel>], iteration_bounds = array<i64: 2, 16>, scalar_prefetch = 0 : i64, scratch_operands = 4 : i64, tpu.core_type = #tpu.core_type<sc_vector_subcore>, window_params = [{transform_indices = #map}, {transform_indices = #map}]} {
    %mul3A = arith.constant 16 : i32
    %mul3A_0 = arith.muli %arg0, %mul3A : i32
    %add3A = arith.addi %mul3A_0, %arg1 : i32
    "tpu.region"() ({
      %run_scoped3A = tpu.sem_alloc : memref<!tpu.dma_semaphore, #tpu.memory_space<semaphore_mem>>
      %dma_start3A = arith.constant 0 : i32
      %dma_start3A_28 = arith.constant 0 : i32
      %dma_start3A_29 = tpu.memref_slice %arg2[%add3A, %dma_start3A, %dma_start3A_28] : memref<32x80x128xi32, #tpu.memory_space<hbm>> -> memref<1x80x128xi32, #tpu.memory_space<hbm>>
      %dma_start3A_30 = tpu.memref_squeeze %dma_start3A_29 : memref<1x80x128xi32, #tpu.memory_space<hbm>> -> memref<80x128xi32, #tpu.memory_space<hbm>>
      %dma_start3A_31 = arith.constant 0 : i32
      %dma_start3A_32 = arith.constant 0 : i32
      %dma_start3A_33 = tpu.memref_slice %arg2[%add3A, %dma_start3A_31, %dma_start3A_32] : memref<32x80x128xi32, #tpu.memory_space<hbm>> -> memref<1x80x128xi32, #tpu.memory_space<hbm>>
      %dma_start3A_34 = tpu.memref_squeeze %dma_start3A_33 : memref<1x80x128xi32, #tpu.memory_space<hbm>> -> memref<80x128xi32, #tpu.memory_space<hbm>>
      tpu.enqueue_dma source(%dma_start3A_34 : memref<80x128xi32, #tpu.memory_space<hbm>>) target(%arg4 : memref<80x128xi32, #tpu.memory_space<vmem>>) target_semaphore(%run_scoped3A : memref<!tpu.dma_semaphore, #tpu.memory_space<semaphore_mem>>)
      %dma_wait3A = arith.constant 0 : i32
      %dma_wait3A_35 = arith.constant 0 : i32
      %dma_wait3A_36 = tpu.memref_slice %arg2[%add3A, %dma_wait3A, %dma_wait3A_35] : memref<32x80x128xi32, #tpu.memory_space<hbm>> -> memref<1x80x128xi32, #tpu.memory_space<hbm>>
      %dma_wait3A_37 = tpu.memref_squeeze %dma_wait3A_36 : memref<1x80x128xi32, #tpu.memory_space<hbm>> -> memref<80x128xi32, #tpu.memory_space<hbm>>
      %dma_wait3A_38 = arith.constant 0 : i32
      %dma_wait3A_39 = arith.constant 0 : i32
      %dma_wait3A_40 = tpu.memref_slice %arg2[%add3A, %dma_wait3A_38, %dma_wait3A_39] : memref<32x80x128xi32, #tpu.memory_space<hbm>> -> memref<1x80x128xi32, #tpu.memory_space<hbm>>
      %dma_wait3A_41 = tpu.memref_squeeze %dma_wait3A_40 : memref<1x80x128xi32, #tpu.memory_space<hbm>> -> memref<80x128xi32, #tpu.memory_space<hbm>>
      tpu.wait_dma2 semaphore(%run_scoped3A : memref<!tpu.dma_semaphore, #tpu.memory_space<semaphore_mem>>) src(%dma_wait3A_41 : memref<80x128xi32, #tpu.memory_space<hbm>>) dst(%arg4 : memref<80x128xi32, #tpu.memory_space<vmem>>)
      tpu.yield
    }) : () -> ()
    %broadcast_in_dim3A = arith.constant 0.000000e+00 : f32
    %broadcast_in_dim3A_1 = vector.broadcast %broadcast_in_dim3A : f32 to vector<16xf32>
    %broadcast_in_dim3A_2 = arith.constant 1.000000e+00 : f32
    %broadcast_in_dim3A_3 = vector.broadcast %broadcast_in_dim3A_2 : f32 to vector<16xf32>
    %scan3A = arith.constant 0 : i32
    %scan3A_4 = arith.constant 0 : i32
    %scan3A_5 = arith.constant 128 : i32
    %scan3A_6 = arith.addi %scan3A_4, %scan3A_5 : i32
    %scan3A_7 = arith.constant 1 : i32
    scf.for %scan3A_28 = %scan3A_4 to %scan3A_6 step %scan3A_7  : i32 {
      %swap3A = arith.index_cast %scan3A_28 : i32 to index
      %swap3A_29 = arith.constant 0 : index
      %swap3A_30 = tpu.vector_load %arg5[%swap3A, %swap3A_29] {strides = array<i32>} : memref<128x16xf32, #tpu.memory_space<vmem>>, vector<1x16xf32>,
      %swap3A_31 = vector.shape_cast %swap3A_30 : vector<1x16xf32> to vector<16xf32>
      %swap3A_32 = vector.shape_cast %broadcast_in_dim3A_3 : vector<16xf32> to vector<1x16xf32>
      tpu.vector_store %arg5[%swap3A, %swap3A_29], %swap3A_32 {strides = array<i32>} : memref<128x16xf32, #tpu.memory_space<vmem>>, vector<1x16xf32>,
      %swap3A_33 = arith.index_cast %scan3A_28 : i32 to index
      %swap3A_34 = arith.constant 0 : index
      %swap3A_35 = tpu.vector_load %arg6[%swap3A_33, %swap3A_34] {strides = array<i32>} : memref<128x16xf32, #tpu.memory_space<vmem>>, vector<1x16xf32>,
      %swap3A_36 = vector.shape_cast %swap3A_35 : vector<1x16xf32> to vector<16xf32>
      %swap3A_37 = vector.shape_cast %broadcast_in_dim3A_1 : vector<16xf32> to vector<1x16xf32>
      tpu.vector_store %arg6[%swap3A_33, %swap3A_34], %swap3A_37 {strides = array<i32>} : memref<128x16xf32, #tpu.memory_space<vmem>>, vector<1x16xf32>,
    }
    %scan3A_8 = arith.constant 128 : i32
    %mul3A_9 = arith.constant 632 : i32
    %mul3A_10 = arith.muli %arg1, %mul3A_9 : i32
    %add3A_11 = arith.constant 0 : i32
    %add3A_12 = arith.addi %mul3A_10, %add3A_11 : i32
    "tpu.region"() ({
      %run_scoped3A = tpu.sem_alloc : memref<!tpu.dma_semaphore, #tpu.memory_space<semaphore_mem>>
      %dma_start3A = arith.constant 0 : i32
      %dma_start3A_28 = tpu.memref_slice %arg7[%add3A_12, %dma_start3A] : memref<10112x16xf32, #tpu.memory_space<vmem_shared>> -> memref<128x16xf32, #tpu.memory_space<vmem_shared>>
      %dma_start3A_29 = arith.constant 0 : i32
      %dma_start3A_30 = tpu.memref_slice %arg7[%add3A_12, %dma_start3A_29] : memref<10112x16xf32, #tpu.memory_space<vmem_shared>> -> memref<128x16xf32, #tpu.memory_space<vmem_shared>>
      tpu.enqueue_dma source(%arg6 : memref<128x16xf32, #tpu.memory_space<vmem>>) target(%dma_start3A_30 : memref<128x16xf32, #tpu.memory_space<vmem_shared>>) target_semaphore(%run_scoped3A : memref<!tpu.dma_semaphore, #tpu.memory_space<semaphore_mem>>)
      %dma_wait3A = arith.constant 0 : i32
      %dma_wait3A_31 = tpu.memref_slice %arg7[%add3A_12, %dma_wait3A] : memref<10112x16xf32, #tpu.memory_space<vmem_shared>> -> memref<128x16xf32, #tpu.memory_space<vmem_shared>>
      %dma_wait3A_32 = arith.constant 0 : i32
      %dma_wait3A_33 = tpu.memref_slice %arg7[%add3A_12, %dma_wait3A_32] : memref<10112x16xf32, #tpu.memory_space<vmem_shared>> -> memref<128x16xf32, #tpu.memory_space<vmem_shared>>
      tpu.wait_dma2 semaphore(%run_scoped3A : memref<!tpu.dma_semaphore, #tpu.memory_space<semaphore_mem>>) src(%arg6 : memref<128x16xf32, #tpu.memory_space<vmem>>) dst(%dma_wait3A_33 : memref<128x16xf32, #tpu.memory_space<vmem_shared>>)
      tpu.yield
    }) : () -> ()
    %add3A_13 = arith.constant 128 : i32
    %add3A_14 = arith.addi %mul3A_10, %add3A_13 : i32
    "tpu.region"() ({
      %run_scoped3A = tpu.sem_alloc : memref<!tpu.dma_semaphore, #tpu.memory_space<semaphore_mem>>
      %dma_start3A = arith.constant 0 : i32
      %dma_start3A_28 = tpu.memref_slice %arg7[%add3A_14, %dma_start3A] : memref<10112x16xf32, #tpu.memory_space<vmem_shared>> -> memref<128x16xf32, #tpu.memory_space<vmem_shared>>
      %dma_start3A_29 = arith.constant 0 : i32
      %dma_start3A_30 = tpu.memref_slice %arg7[%add3A_14, %dma_start3A_29] : memref<10112x16xf32, #tpu.memory_space<vmem_shared>> -> memref<128x16xf32, #tpu.memory_space<vmem_shared>>
      tpu.enqueue_dma source(%arg6 : memref<128x16xf32, #tpu.memory_space<vmem>>) target(%dma_start3A_30 : memref<128x16xf32, #tpu.memory_space<vmem_shared>>) target_semaphore(%run_scoped3A : memref<!tpu.dma_semaphore, #tpu.memory_space<semaphore_mem>>)
      %dma_wait3A = arith.constant 0 : i32
      %dma_wait3A_31 = tpu.memref_slice %arg7[%add3A_14, %dma_wait3A] : memref<10112x16xf32, #tpu.memory_space<vmem_shared>> -> memref<128x16xf32, #tpu.memory_space<vmem_shared>>
      %dma_wait3A_32 = arith.constant 0 : i32
      %dma_wait3A_33 = tpu.memref_slice %arg7[%add3A_14, %dma_wait3A_32] : memref<10112x16xf32, #tpu.memory_space<vmem_shared>> -> memref<128x16xf32, #tpu.memory_space<vmem_shared>>
      tpu.wait_dma2 semaphore(%run_scoped3A : memref<!tpu.dma_semaphore, #tpu.memory_space<semaphore_mem>>) src(%arg6 : memref<128x16xf32, #tpu.memory_space<vmem>>) dst(%dma_wait3A_33 : memref<128x16xf32, #tpu.memory_space<vmem_shared>>)
      tpu.yield
    }) : () -> ()
    %add3A_15 = arith.constant 256 : i32
    %add3A_16 = arith.addi %mul3A_10, %add3A_15 : i32
    "tpu.region"() ({
      %run_scoped3A = tpu.sem_alloc : memref<!tpu.dma_semaphore, #tpu.memory_space<semaphore_mem>>
      %dma_start3A = arith.constant 0 : i32
      %dma_start3A_28 = tpu.memref_slice %arg7[%add3A_16, %dma_start3A] : memref<10112x16xf32, #tpu.memory_space<vmem_shared>> -> memref<128x16xf32, #tpu.memory_space<vmem_shared>>
      %dma_start3A_29 = arith.constant 0 : i32
      %dma_start3A_30 = tpu.memref_slice %arg7[%add3A_16, %dma_start3A_29] : memref<10112x16xf32, #tpu.memory_space<vmem_shared>> -> memref<128x16xf32, #tpu.memory_space<vmem_shared>>
      tpu.enqueue_dma source(%arg6 : memref<128x16xf32, #tpu.memory_space<vmem>>) target(%dma_start3A_30 : memref<128x16xf32, #tpu.memory_space<vmem_shared>>) target_semaphore(%run_scoped3A : memref<!tpu.dma_semaphore, #tpu.memory_space<semaphore_mem>>)
      %dma_wait3A = arith.constant 0 : i32
      %dma_wait3A_31 = tpu.memref_slice %arg7[%add3A_16, %dma_wait3A] : memref<10112x16xf32, #tpu.memory_space<vmem_shared>> -> memref<128x16xf32, #tpu.memory_space<vmem_shared>>
      %dma_wait3A_32 = arith.constant 0 : i32
      %dma_wait3A_33 = tpu.memref_slice %arg7[%add3A_16, %dma_wait3A_32] : memref<10112x16xf32, #tpu.memory_space<vmem_shared>> -> memref<128x16xf32, #tpu.memory_space<vmem_shared>>
      tpu.wait_dma2 semaphore(%run_scoped3A : memref<!tpu.dma_semaphore, #tpu.memory_space<semaphore_mem>>) src(%arg6 : memref<128x16xf32, #tpu.memory_space<vmem>>) dst(%dma_wait3A_33 : memref<128x16xf32, #tpu.memory_space<vmem_shared>>)
      tpu.yield
    }) : () -> ()
    %add3A_17 = arith.constant 384 : i32
    %add3A_18 = arith.addi %mul3A_10, %add3A_17 : i32
    "tpu.region"() ({
      %run_scoped3A = tpu.sem_alloc : memref<!tpu.dma_semaphore, #tpu.memory_space<semaphore_mem>>
      %dma_start3A = arith.constant 0 : i32
      %dma_start3A_28 = tpu.memref_slice %arg7[%add3A_18, %dma_start3A] : memref<10112x16xf32, #tpu.memory_space<vmem_shared>> -> memref<128x16xf32, #tpu.memory_space<vmem_shared>>
      %dma_start3A_29 = arith.constant 0 : i32
      %dma_start3A_30 = tpu.memref_slice %arg7[%add3A_18, %dma_start3A_29] : memref<10112x16xf32, #tpu.memory_space<vmem_shared>> -> memref<128x16xf32, #tpu.memory_space<vmem_shared>>
      tpu.enqueue_dma source(%arg6 : memref<128x16xf32, #tpu.memory_space<vmem>>) target(%dma_start3A_30 : memref<128x16xf32, #tpu.memory_space<vmem_shared>>) target_semaphore(%run_scoped3A : memref<!tpu.dma_semaphore, #tpu.memory_space<semaphore_mem>>)
      %dma_wait3A = arith.constant 0 : i32
      %dma_wait3A_31 = tpu.memref_slice %arg7[%add3A_18, %dma_wait3A] : memref<10112x16xf32, #tpu.memory_space<vmem_shared>> -> memref<128x16xf32, #tpu.memory_space<vmem_shared>>
      %dma_wait3A_32 = arith.constant 0 : i32
      %dma_wait3A_33 = tpu.memref_slice %arg7[%add3A_18, %dma_wait3A_32] : memref<10112x16xf32, #tpu.memory_space<vmem_shared>> -> memref<128x16xf32, #tpu.memory_space<vmem_shared>>
      tpu.wait_dma2 semaphore(%run_scoped3A : memref<!tpu.dma_semaphore, #tpu.memory_space<semaphore_mem>>) src(%arg6 : memref<128x16xf32, #tpu.memory_space<vmem>>) dst(%dma_wait3A_33 : memref<128x16xf32, #tpu.memory_space<vmem_shared>>)
      tpu.yield
    }) : () -> ()
    %add3A_19 = arith.constant 512 : i32
    %add3A_20 = arith.addi %mul3A_10, %add3A_19 : i32
    "tpu.region"() ({
      %run_scoped3A = tpu.sem_alloc : memref<!tpu.dma_semaphore, #tpu.memory_space<semaphore_mem>>
      %dma_start3A = arith.constant 0 : i32
      %dma_start3A_28 = arith.constant 0 : i32
      %dma_start3A_29 = tpu.memref_slice %arg6[%dma_start3A, %dma_start3A_28] : memref<128x16xf32, #tpu.memory_space<vmem>> -> memref<120x16xf32, #tpu.memory_space<vmem>>
      %dma_start3A_30 = arith.constant 0 : i32
      %dma_start3A_31 = tpu.memref_slice %arg7[%add3A_20, %dma_start3A_30] : memref<10112x16xf32, #tpu.memory_space<vmem_shared>> -> memref<120x16xf32, #tpu.memory_space<vmem_shared>>
      %dma_start3A_32 = arith.constant 0 : i32
      %dma_start3A_33 = tpu.memref_slice %arg7[%add3A_20, %dma_start3A_32] : memref<10112x16xf32, #tpu.memory_space<vmem_shared>> -> memref<120x16xf32, #tpu.memory_space<vmem_shared>>
      %dma_start3A_34 = arith.constant 0 : i32
      %dma_start3A_35 = arith.constant 0 : i32
      %dma_start3A_36 = tpu.memref_slice %arg6[%dma_start3A_34, %dma_start3A_35] : memref<128x16xf32, #tpu.memory_space<vmem>> -> memref<120x16xf32, #tpu.memory_space<vmem>>
      tpu.enqueue_dma source(%dma_start3A_36 : memref<120x16xf32, #tpu.memory_space<vmem>>) target(%dma_start3A_33 : memref<120x16xf32, #tpu.memory_space<vmem_shared>>) target_semaphore(%run_scoped3A : memref<!tpu.dma_semaphore, #tpu.memory_space<semaphore_mem>>)
      %dma_wait3A = arith.constant 0 : i32
      %dma_wait3A_37 = arith.constant 0 : i32
      %dma_wait3A_38 = tpu.memref_slice %arg6[%dma_wait3A, %dma_wait3A_37] : memref<128x16xf32, #tpu.memory_space<vmem>> -> memref<120x16xf32, #tpu.memory_space<vmem>>
      %dma_wait3A_39 = arith.constant 0 : i32
      %dma_wait3A_40 = tpu.memref_slice %arg7[%add3A_20, %dma_wait3A_39] : memref<10112x16xf32, #tpu.memory_space<vmem_shared>> -> memref<120x16xf32, #tpu.memory_space<vmem_shared>>
      %dma_wait3A_41 = arith.constant 0 : i32
      %dma_wait3A_42 = tpu.memref_slice %arg7[%add3A_20, %dma_wait3A_41] : memref<10112x16xf32, #tpu.memory_space<vmem_shared>> -> memref<120x16xf32, #tpu.memory_space<vmem_shared>>
      %dma_wait3A_43 = arith.constant 0 : i32
      %dma_wait3A_44 = arith.constant 0 : i32
      %dma_wait3A_45 = tpu.memref_slice %arg6[%dma_wait3A_43, %dma_wait3A_44] : memref<128x16xf32, #tpu.memory_space<vmem>> -> memref<120x16xf32, #tpu.memory_space<vmem>>
      tpu.wait_dma2 semaphore(%run_scoped3A : memref<!tpu.dma_semaphore, #tpu.memory_space<semaphore_mem>>) src(%dma_wait3A_45 : memref<120x16xf32, #tpu.memory_space<vmem>>) dst(%dma_wait3A_42 : memref<120x16xf32, #tpu.memory_space<vmem_shared>>)
      tpu.yield
    }) : () -> ()
    %barrier3A = arith.constant 0 : index
    tpu.barrier barrier_id(%barrier3A)
    %scan3A_21 = arith.constant 0 : i32
    %scan3A_22 = arith.constant 0 : i32
    %scan3A_23 = arith.constant 80 : i32
    %scan3A_24 = arith.addi %scan3A_22, %scan3A_23 : i32
    %scan3A_25 = arith.constant 1 : i32
    scf.for %scan3A_28 = %scan3A_22 to %scan3A_24 step %scan3A_25  : i32 {
      "tpu.region"() ({
        %run_scoped3A = tpu.sem_alloc : memref<!tpu.dma_semaphore, #tpu.memory_space<semaphore_mem>>
        %dma_start3A = arith.constant 0 : i32
        %dma_start3A_29 = tpu.memref_slice %arg4[%scan3A_28, %dma_start3A] : memref<80x128xi32, #tpu.memory_space<vmem>> -> memref<1x128xi32, #tpu.memory_space<vmem>>
        %dma_start3A_30 = tpu.memref_squeeze %dma_start3A_29 : memref<1x128xi32, #tpu.memory_space<vmem>> -> memref<128xi32, #tpu.memory_space<vmem>>
        %dma_start3A_31 = arith.constant 0 : i32
        %dma_start3A_32 = arith.constant 0 : i32
        %dma_start3A_33 = tpu.memref_slice %arg7[%dma_start3A_31, %dma_start3A_32] : memref<10112x16xf32, #tpu.memory_space<vmem_shared>> -> memref<10112x16xf32, #tpu.memory_space<vmem_shared>>
        tpu.enqueue_indirect_dma source(%arg5 : memref<128x16xf32, #tpu.memory_space<vmem>>) target(%dma_start3A_33 : memref<10112x16xf32, #tpu.memory_space<vmem_shared>>) offsets(%dma_start3A_30 : memref<128xi32, #tpu.memory_space<vmem>>) semaphore(%run_scoped3A : memref<!tpu.dma_semaphore, #tpu.memory_space<semaphore_mem>>) {add = true}
        %dma_wait3A = arith.constant 0 : i32
        %dma_wait3A_34 = tpu.memref_slice %arg4[%scan3A_28, %dma_wait3A] : memref<80x128xi32, #tpu.memory_space<vmem>> -> memref<1x128xi32, #tpu.memory_space<vmem>>
        %dma_wait3A_35 = tpu.memref_squeeze %dma_wait3A_34 : memref<1x128xi32, #tpu.memory_space<vmem>> -> memref<128xi32, #tpu.memory_space<vmem>>
        %dma_wait3A_36 = arith.constant 0 : i32
        %dma_wait3A_37 = arith.constant 0 : i32
        %dma_wait3A_38 = tpu.memref_slice %arg7[%dma_wait3A_36, %dma_wait3A_37] : memref<10112x16xf32, #tpu.memory_space<vmem_shared>> -> memref<10112x16xf32, #tpu.memory_space<vmem_shared>>
        tpu.wait_indirect_dma semaphore(%run_scoped3A : memref<!tpu.dma_semaphore, #tpu.memory_space<semaphore_mem>>) src(%arg5 : memref<128x16xf32, #tpu.memory_space<vmem>>) dst(%dma_wait3A_38 : memref<10112x16xf32, #tpu.memory_space<vmem_shared>>)
        tpu.yield
      }) : () -> ()
    }
    %scan3A_26 = arith.constant 80 : i32
    %barrier3A_27 = arith.constant 0 : index
    tpu.barrier barrier_id(%barrier3A_27)
    "tpu.region"() ({
      %run_scoped3A = tpu.sem_alloc : memref<!tpu.dma_semaphore, #tpu.memory_space<semaphore_mem>>
      %dma_start3A = arith.constant 0 : i32
      %dma_start3A_28 = tpu.memref_slice %arg3[%arg0, %mul3A_10, %dma_start3A] : memref<2x10112x16xf32, #tpu.memory_space<hbm>> -> memref<1x632x16xf32, #tpu.memory_space<hbm>>
      %dma_start3A_29 = tpu.memref_squeeze %dma_start3A_28 : memref<1x632x16xf32, #tpu.memory_space<hbm>> -> memref<632x16xf32, #tpu.memory_space<hbm>>
      %dma_start3A_30 = arith.constant 0 : i32
      %dma_start3A_31 = tpu.memref_slice %arg7[%mul3A_10, %dma_start3A_30] : memref<10112x16xf32, #tpu.memory_space<vmem_shared>> -> memref<632x16xf32, #tpu.memory_space<vmem_shared>>
      tpu.enqueue_dma source(%dma_start3A_31 : memref<632x16xf32, #tpu.memory_space<vmem_shared>>) target(%dma_start3A_29 : memref<632x16xf32, #tpu.memory_space<hbm>>) target_semaphore(%run_scoped3A : memref<!tpu.dma_semaphore, #tpu.memory_space<semaphore_mem>>)
      %dma_wait3A = arith.constant 0 : i32
      %dma_wait3A_32 = tpu.memref_slice %arg3[%arg0, %mul3A_10, %dma_wait3A] : memref<2x10112x16xf32, #tpu.memory_space<hbm>> -> memref<1x632x16xf32, #tpu.memory_space<hbm>>
      %dma_wait3A_33 = tpu.memref_squeeze %dma_wait3A_32 : memref<1x632x16xf32, #tpu.memory_space<hbm>> -> memref<632x16xf32, #tpu.memory_space<hbm>>
      %dma_wait3A_34 = arith.constant 0 : i32
      %dma_wait3A_35 = tpu.memref_slice %arg7[%mul3A_10, %dma_wait3A_34] : memref<10112x16xf32, #tpu.memory_space<vmem_shared>> -> memref<632x16xf32, #tpu.memory_space<vmem_shared>>
      tpu.wait_dma2 semaphore(%run_scoped3A : memref<!tpu.dma_semaphore, #tpu.memory_space<semaphore_mem>>) src(%dma_wait3A_35 : memref<632x16xf32, #tpu.memory_space<vmem_shared>>) dst(%dma_wait3A_33 : memref<632x16xf32, #tpu.memory_space<hbm>>)
      tpu.yield
    }) : () -> ()
    return
  }
}

module attributes {stable_mosaic.version = 14 : i64} {
  func.func @_mm_body(%arg0: i32, %arg1: memref<1000x128xf32, #tpu.memory_space<vmem>>, %arg2: memref<128x128xf32, #tpu.memory_space<vmem>>, %arg3: memref<1000x1xf32, #tpu.memory_space<vmem>>, %arg4: memref<1000x1xf32, #tpu.memory_space<vmem>>, %arg5: memref<1000x128xbf16, #tpu.memory_space<vmem>>) attributes {dimension_semantics = [#tpu.dimension_semantics<arbitrary>], iteration_bounds = array<i64: 10>, scalar_prefetch = 0 : i64, scratch_operands = 0 : i64, tpu.core_type = #tpu.core_type<tc>, window_params = [{transform_indices = @transform_0, window_bounds = array<i64: 1000, 128>}, {pipeline_mode = #tpu.pipeline_mode<synchronous>, transform_indices = @transform_1, window_bounds = array<i64: 128, 128>}, {transform_indices = @transform_2, window_bounds = array<i64: 1000, 1>}, {transform_indices = @transform_3, window_bounds = array<i64: 1000, 1>}, {transform_indices = @transform_4, window_bounds = array<i64: 1000, 128>}]} {
    %get3A = arith.constant 0 : index
    %get3A_0 = arith.constant 0 : index
    %get3A_1 = vector.load %arg3[%get3A, %get3A_0] : memref<1000x1xf32, #tpu.memory_space<vmem>>, vector<1000x1xf32>
    %get3A_2 = arith.constant 0 : index
    %get3A_3 = arith.constant 0 : index
    %get3A_4 = vector.load %arg4[%get3A_2, %get3A_3] : memref<1000x1xf32, #tpu.memory_space<vmem>>, vector<1000x1xf32>
    %add3A = arith.addf %get3A_1, %get3A_4 : vector<1000x1xf32>
    %add3A_5 = arith.constant 1.000000e+00 : f32
    %add3A_6 = vector.broadcast %add3A_5 : f32 to vector<1000x1xf32>
    %add3A_7 = arith.addf %add3A, %add3A_6 : vector<1000x1xf32>
    %rsqrt3A = math.rsqrt %add3A_7 : vector<1000x1xf32>
    %get3A_8 = arith.constant 0 : index
    %get3A_9 = arith.constant 0 : index
    %get3A_10 = vector.load %arg1[%get3A_8, %get3A_9] : memref<1000x128xf32, #tpu.memory_space<vmem>>, vector<1000x128xf32>
    %get3A_11 = arith.constant 0 : index
    %get3A_12 = arith.constant 0 : index
    %get3A_13 = vector.load %arg2[%get3A_11, %get3A_12] : memref<128x128xf32, #tpu.memory_space<vmem>>, vector<128x128xf32>
    %dot_general3A = arith.constant dense<0.000000e+00> : vector<1000x128xf32>
    %dot_general3A_14 = tpu.matmul %get3A_10, %get3A_13, %dot_general3A {dimension_numbers = #tpu.dot_dimension_numbers<[1], [0], [0], [1], [0, 0, 1, 1], [], []>, transpose_lhs_hint = false} : vector<1000x128xf32>, vector<128x128xf32>, vector<1000x128xf32> -> vector<1000x128xf32>
    %mul3A = vector.broadcast %rsqrt3A : vector<1000x1xf32> to vector<1000x128xf32>
    %mul3A_15 = arith.mulf %dot_general3A_14, %mul3A : vector<1000x128xf32>
    %convert_element_type3A = arith.truncf %mul3A_15 : vector<1000x128xf32> to vector<1000x128xbf16>
    %swap3A = arith.constant 0 : index
    %swap3A_16 = arith.constant 0 : index
    %swap3A_17 = vector.load %arg5[%swap3A, %swap3A_16] : memref<1000x128xbf16, #tpu.memory_space<vmem>>, vector<1000x128xbf16>
    tpu.vector_store %arg5[%swap3A, %swap3A_16], %convert_element_type3A {strides = array<i32>} : memref<1000x128xbf16, #tpu.memory_space<vmem>>, vector<1000x128xbf16>,
    return
  }
  func.func @transform_0(%arg0: i32) -> (i32, i32) {
    %c0_i32 = arith.constant 0 : i32
    %c0_i32_0 = arith.constant 0 : i32
    return %arg0, %c0_i32 : i32, i32
  }
  func.func @transform_1(%arg0: i32) -> (i32, i32) {
    %c0_i32 = arith.constant 0 : i32
    %c0_i32_0 = arith.constant 0 : i32
    %c0_i32_1 = arith.constant 0 : i32
    return %c0_i32, %c0_i32_0 : i32, i32
  }
  func.func @transform_2(%arg0: i32) -> (i32, i32) {
    %c0_i32 = arith.constant 0 : i32
    %c0_i32_0 = arith.constant 0 : i32
    return %arg0, %c0_i32 : i32, i32
  }
  func.func @transform_3(%arg0: i32) -> (i32, i32) {
    %c0_i32 = arith.constant 0 : i32
    %c0_i32_0 = arith.constant 0 : i32
    return %arg0, %c0_i32 : i32, i32
  }
  func.func @transform_4(%arg0: i32) -> (i32, i32) {
    %c0_i32 = arith.constant 0 : i32
    %c0_i32_0 = arith.constant 0 : i32
    return %arg0, %c0_i32 : i32, i32
  }
}

module attributes {stable_mosaic.version = 14 : i64} {
  func.func @_epi_body(%arg0: i32, %arg1: memref<1x1000x128xbf16, #tpu.memory_space<vmem>>, %arg2: memref<1x1000x128xbf16, #tpu.memory_space<vmem>>, %arg3: memref<1000x128xbf16, #tpu.memory_space<vmem>>, %arg4: memref<1000x1xf32, #tpu.memory_space<vmem>>, %arg5: memref<1000x1xf32, #tpu.memory_space<vmem>>, %arg6: memref<1x1x1000xi32, #tpu.memory_space<vmem>>, %arg7: memref<1x128xf32, #tpu.memory_space<vmem>>, %arg8: memref<128x128xf32, #tpu.memory_space<vmem>>, %arg9: memref<1x128xf32, #tpu.memory_space<vmem>>, %arg10: memref<64x128xf32, #tpu.memory_space<vmem>>, %arg11: memref<64x128xf32, #tpu.memory_space<vmem>>, %arg12: memref<64x128xf32, #tpu.memory_space<vmem>>) attributes {dimension_semantics = [#tpu.dimension_semantics<arbitrary>], iteration_bounds = array<i64: 10>, scalar_prefetch = 0 : i64, scratch_operands = 2 : i64, tpu.core_type = #tpu.core_type<tc>, window_params = [{transform_indices = @transform_0, window_bounds = array<i64: 1, 1000, 128>}, {transform_indices = @transform_1, window_bounds = array<i64: 1, 1000, 128>}, {transform_indices = @transform_2, window_bounds = array<i64: 1000, 128>}, {transform_indices = @transform_3, window_bounds = array<i64: 1000, 1>}, {transform_indices = @transform_4, window_bounds = array<i64: 1000, 1>}, {transform_indices = @transform_5, window_bounds = array<i64: 1, 1, 1000>}, {pipeline_mode = #tpu.pipeline_mode<synchronous>, transform_indices = @transform_6, window_bounds = array<i64: 1, 128>}, {pipeline_mode = #tpu.pipeline_mode<synchronous>, transform_indices = @transform_7, window_bounds = array<i64: 128, 128>}, {pipeline_mode = #tpu.pipeline_mode<synchronous>, transform_indices = @transform_8, window_bounds = array<i64: 1, 128>}, {pipeline_mode = #tpu.pipeline_mode<synchronous>, transform_indices = @transform_9, window_bounds = array<i64: 64, 128>}]} {
    %get3A = arith.constant 0 : index
    %get3A_0 = arith.constant 0 : index
    %get3A_1 = vector.load %arg4[%get3A, %get3A_0] : memref<1000x1xf32, #tpu.memory_space<vmem>>, vector<1000x1xf32>
    %get3A_2 = arith.constant 0 : index
    %get3A_3 = arith.constant 0 : index
    %get3A_4 = vector.load %arg5[%get3A_2, %get3A_3] : memref<1000x1xf32, #tpu.memory_space<vmem>>, vector<1000x1xf32>
    %add3A = arith.addf %get3A_1, %get3A_4 : vector<1000x1xf32>
    %add3A_5 = arith.constant 1.000000e+00 : f32
    %add3A_6 = vector.broadcast %add3A_5 : f32 to vector<1000x1xf32>
    %add3A_7 = arith.addf %add3A, %add3A_6 : vector<1000x1xf32>
    %rsqrt3A = math.rsqrt %add3A_7 : vector<1000x1xf32>
    %get3A_8 = arith.constant 0 : index
    %get3A_9 = arith.constant 0 : index
    %get3A_10 = arith.constant 0 : index
    %get3A_11 = vector.load %arg1[%get3A_8, %get3A_9, %get3A_10] : memref<1x1000x128xbf16, #tpu.memory_space<vmem>>, vector<1x1000x128xbf16>
    %reshape3A = vector.shape_cast %get3A_11 : vector<1x1000x128xbf16> to vector<1000x128xbf16>
    %convert_element_type3A = arith.extf %reshape3A : vector<1000x128xbf16> to vector<1000x128xf32>
    %get3A_12 = arith.constant 0 : index
    %get3A_13 = arith.constant 0 : index
    %get3A_14 = arith.constant 0 : index
    %get3A_15 = vector.load %arg2[%get3A_12, %get3A_13, %get3A_14] : memref<1x1000x128xbf16, #tpu.memory_space<vmem>>, vector<1x1000x128xbf16>
    %reshape3A_16 = vector.shape_cast %get3A_15 : vector<1x1000x128xbf16> to vector<1000x128xbf16>
    %convert_element_type3A_17 = arith.extf %reshape3A_16 : vector<1000x128xbf16> to vector<1000x128xf32>
    %get3A_18 = arith.constant 0 : index
    %get3A_19 = arith.constant 0 : index
    %get3A_20 = vector.load %arg3[%get3A_18, %get3A_19] : memref<1000x128xbf16, #tpu.memory_space<vmem>>, vector<1000x128xbf16>
    %convert_element_type3A_21 = arith.extf %get3A_20 : vector<1000x128xbf16> to vector<1000x128xf32>
    %add3A_22 = arith.addf %convert_element_type3A, %convert_element_type3A_17 : vector<1000x128xf32>
    %add3A_23 = arith.addf %add3A_22, %convert_element_type3A_21 : vector<1000x128xf32>
    %mul3A = vector.broadcast %rsqrt3A : vector<1000x1xf32> to vector<1000x128xf32>
    %mul3A_24 = arith.mulf %add3A_23, %mul3A : vector<1000x128xf32>
    %get3A_25 = arith.constant 0 : index
    %get3A_26 = arith.constant 0 : index
    %get3A_27 = vector.load %arg7[%get3A_25, %get3A_26] : memref<1x128xf32, #tpu.memory_space<vmem>>, vector<1x128xf32>
    %add3A_28 = vector.broadcast %get3A_27 : vector<1x128xf32> to vector<1000x128xf32>
    %add3A_29 = arith.addf %mul3A_24, %add3A_28 : vector<1000x128xf32>
    %max3A = arith.constant 0.000000e+00 : f32
    %max3A_30 = vector.broadcast %max3A : f32 to vector<1000x128xf32>
    %max3A_31 = arith.maximumf %add3A_29, %max3A_30 : vector<1000x128xf32>
    %get3A_32 = arith.constant 0 : index
    %get3A_33 = arith.constant 0 : index
    %get3A_34 = arith.constant 0 : index
    %get3A_35 = vector.load %arg6[%get3A_32, %get3A_33, %get3A_34] : memref<1x1x1000xi32, #tpu.memory_space<vmem>>, vector<1x1x1000xi32>
    %reshape3A_36 = vector.shape_cast %get3A_35 : vector<1x1x1000xi32> to vector<1x1000xi32>
    %iota3A = tpu.iota {dimensions = array<i32: 0>} : vector<64x1000xi32>
    %eq3A = vector.broadcast %reshape3A_36 : vector<1x1000xi32> to vector<64x1000xi32>
    %eq3A_37 = arith.cmpi eq, %eq3A, %iota3A : vector<64x1000xi32>
    %convert_element_type3A_38 = arith.extui %eq3A_37 : vector<64x1000xi1> to vector<64x1000xi32>
    %convert_element_type3A_39 = arith.sitofp %convert_element_type3A_38 : vector<64x1000xi32> to vector<64x1000xf32>
    %dot_general3A = arith.constant dense<0.000000e+00> : vector<64x128xf32>
    %dot_general3A_40 = tpu.matmul %convert_element_type3A_39, %max3A_31, %dot_general3A {dimension_numbers = #tpu.dot_dimension_numbers<[1], [0], [0], [1], [0, 0, 1, 1], [], []>, transpose_lhs_hint = false} : vector<64x1000xf32>, vector<1000x128xf32>, vector<64x128xf32> -> vector<64x128xf32>
    %broadcast_in_dim3A = arith.constant 1.000000e+00 : f32
    %broadcast_in_dim3A_41 = vector.broadcast %broadcast_in_dim3A : f32 to vector<1000x128xf32>
    %dot_general3A_42 = arith.constant dense<0.000000e+00> : vector<64x128xf32>
    %dot_general3A_43 = tpu.matmul %convert_element_type3A_39, %broadcast_in_dim3A_41, %dot_general3A_42 {dimension_numbers = #tpu.dot_dimension_numbers<[1], [0], [0], [1], [0, 0, 1, 1], [], []>, transpose_lhs_hint = false} : vector<64x1000xf32>, vector<1000x128xf32>, vector<64x128xf32> -> vector<64x128xf32>
    %eq3A_44 = arith.constant 0 : i32
    %eq3A_45 = arith.cmpi eq, %arg0, %eq3A_44 : i32
    %convert_element_type3A_46 = arith.extui %eq3A_45 : i1 to i32
    %cond3A = arith.constant 0 : i32
    %cond3A_47 = arith.cmpi ne, %convert_element_type3A_46, %cond3A : i32
    scf.if %cond3A_47 {
      %swap3A = arith.constant 0 : index
      %swap3A_57 = arith.constant 0 : index
      %swap3A_58 = vector.load %arg11[%swap3A, %swap3A_57] : memref<64x128xf32, #tpu.memory_space<vmem>>, vector<64x128xf32>
      tpu.vector_store %arg11[%swap3A, %swap3A_57], %dot_general3A_40 {strides = array<i32>} : memref<64x128xf32, #tpu.memory_space<vmem>>, vector<64x128xf32>,
      %swap3A_59 = arith.constant 0 : index
      %swap3A_60 = arith.constant 0 : index
      %swap3A_61 = vector.load %arg12[%swap3A_59, %swap3A_60] : memref<64x128xf32, #tpu.memory_space<vmem>>, vector<64x128xf32>
      tpu.vector_store %arg12[%swap3A_59, %swap3A_60], %dot_general3A_43 {strides = array<i32>} : memref<64x128xf32, #tpu.memory_space<vmem>>, vector<64x128xf32>,
    } else {
    }
    %gt3A = arith.constant 0 : i32
    %gt3A_48 = arith.cmpi sgt, %arg0, %gt3A : i32
    %convert_element_type3A_49 = arith.extui %gt3A_48 : i1 to i32
    %cond3A_50 = arith.constant 0 : i32
    %cond3A_51 = arith.cmpi ne, %convert_element_type3A_49, %cond3A_50 : i32
    scf.if %cond3A_51 {
      %get3A_57 = arith.constant 0 : index
      %get3A_58 = arith.constant 0 : index
      %get3A_59 = vector.load %arg11[%get3A_57, %get3A_58] : memref<64x128xf32, #tpu.memory_space<vmem>>, vector<64x128xf32>
      %add3A_60 = arith.addf %get3A_59, %dot_general3A_40 : vector<64x128xf32>
      %swap3A = arith.constant 0 : index
      %swap3A_61 = arith.constant 0 : index
      %swap3A_62 = vector.load %arg11[%swap3A, %swap3A_61] : memref<64x128xf32, #tpu.memory_space<vmem>>, vector<64x128xf32>
      tpu.vector_store %arg11[%swap3A, %swap3A_61], %add3A_60 {strides = array<i32>} : memref<64x128xf32, #tpu.memory_space<vmem>>, vector<64x128xf32>,
      %get3A_63 = arith.constant 0 : index
      %get3A_64 = arith.constant 0 : index
      %get3A_65 = vector.load %arg12[%get3A_63, %get3A_64] : memref<64x128xf32, #tpu.memory_space<vmem>>, vector<64x128xf32>
      %add3A_66 = arith.addf %get3A_65, %dot_general3A_43 : vector<64x128xf32>
      %swap3A_67 = arith.constant 0 : index
      %swap3A_68 = arith.constant 0 : index
      %swap3A_69 = vector.load %arg12[%swap3A_67, %swap3A_68] : memref<64x128xf32, #tpu.memory_space<vmem>>, vector<64x128xf32>
      tpu.vector_store %arg12[%swap3A_67, %swap3A_68], %add3A_66 {strides = array<i32>} : memref<64x128xf32, #tpu.memory_space<vmem>>, vector<64x128xf32>,
    } else {
    }
    %eq3A_52 = arith.constant 9 : i32
    %eq3A_53 = arith.cmpi eq, %arg0, %eq3A_52 : i32
    %convert_element_type3A_54 = arith.extui %eq3A_53 : i1 to i32
    %cond3A_55 = arith.constant 0 : i32
    %cond3A_56 = arith.cmpi ne, %convert_element_type3A_54, %cond3A_55 : i32
    scf.if %cond3A_56 {
      %get3A_57 = arith.constant 0 : index
      %get3A_58 = arith.constant 0 : index
      %get3A_59 = vector.load %arg11[%get3A_57, %get3A_58] : memref<64x128xf32, #tpu.memory_space<vmem>>, vector<64x128xf32>
      %get3A_60 = arith.constant 0 : index
      %get3A_61 = arith.constant 0 : index
      %get3A_62 = vector.load %arg12[%get3A_60, %get3A_61] : memref<64x128xf32, #tpu.memory_space<vmem>>, vector<64x128xf32>
      %max3A_63 = arith.constant 1.000000e+00 : f32
      %max3A_64 = vector.broadcast %max3A_63 : f32 to vector<64x128xf32>
      %max3A_65 = arith.maximumf %get3A_62, %max3A_64 : vector<64x128xf32>
      %div3A = arith.divf %get3A_59, %max3A_65 : vector<64x128xf32>
      %get3A_66 = arith.constant 0 : index
      %get3A_67 = arith.constant 0 : index
      %get3A_68 = vector.load %arg8[%get3A_66, %get3A_67] : memref<128x128xf32, #tpu.memory_space<vmem>>, vector<128x128xf32>
      %dot_general3A_69 = arith.constant dense<0.000000e+00> : vector<64x128xf32>
      %dot_general3A_70 = tpu.matmul %div3A, %get3A_68, %dot_general3A_69 {dimension_numbers = #tpu.dot_dimension_numbers<[1], [0], [0], [1], [0, 0, 1, 1], [], []>, transpose_lhs_hint = false} : vector<64x128xf32>, vector<128x128xf32>, vector<64x128xf32> -> vector<64x128xf32>
      %get3A_71 = arith.constant 0 : index
      %get3A_72 = arith.constant 0 : index
      %get3A_73 = vector.load %arg9[%get3A_71, %get3A_72] : memref<1x128xf32, #tpu.memory_space<vmem>>, vector<1x128xf32>
      %add3A_74 = vector.broadcast %get3A_73 : vector<1x128xf32> to vector<64x128xf32>
      %add3A_75 = arith.addf %dot_general3A_70, %add3A_74 : vector<64x128xf32>
      %reduce_max3A = arith.constant dense<0xFF800000> : vector<64xf32>
      %reduce_max3A_76 = vector.multi_reduction <maximumf>, %add3A_75, %reduce_max3A [1] : vector<64x128xf32> to vector<64xf32>
      %broadcast_in_dim3A_77 = vector.shape_cast %reduce_max3A_76 : vector<64xf32> to vector<64x1xf32>
      %sub3A = vector.broadcast %broadcast_in_dim3A_77 : vector<64x1xf32> to vector<64x128xf32>
      %sub3A_78 = arith.subf %add3A_75, %sub3A : vector<64x128xf32>
      %exp3A = math.exp %sub3A_78 : vector<64x128xf32>
      %reduce_sum3A = arith.constant dense<0.000000e+00> : vector<64xf32>
      %reduce_sum3A_79 = vector.multi_reduction <add>, %exp3A, %reduce_sum3A [1] : vector<64x128xf32> to vector<64xf32>
      %broadcast_in_dim3A_80 = vector.shape_cast %reduce_sum3A_79 : vector<64xf32> to vector<64x1xf32>
      %log3A = math.log %broadcast_in_dim3A_80 : vector<64x1xf32>
      %sub3A_81 = vector.broadcast %broadcast_in_dim3A_77 : vector<64x1xf32> to vector<64x128xf32>
      %sub3A_82 = arith.subf %add3A_75, %sub3A_81 : vector<64x128xf32>
      %sub3A_83 = vector.broadcast %log3A : vector<64x1xf32> to vector<64x128xf32>
      %sub3A_84 = arith.subf %sub3A_82, %sub3A_83 : vector<64x128xf32>
      %swap3A = arith.constant 0 : index
      %swap3A_85 = arith.constant 0 : index
      %swap3A_86 = vector.load %arg10[%swap3A, %swap3A_85] : memref<64x128xf32, #tpu.memory_space<vmem>>, vector<64x128xf32>
      tpu.vector_store %arg10[%swap3A, %swap3A_85], %sub3A_84 {strides = array<i32>} : memref<64x128xf32, #tpu.memory_space<vmem>>, vector<64x128xf32>,
    } else {
    }
    return
  }
  func.func @transform_0(%arg0: i32) -> (i32, i32, i32) {
    %c0_i32 = arith.constant 0 : i32
    %c0_i32_0 = arith.constant 0 : i32
    %c0_i32_1 = arith.constant 0 : i32
    return %c0_i32, %arg0, %c0_i32_0 : i32, i32, i32
  }
  func.func @transform_1(%arg0: i32) -> (i32, i32, i32) {
    %c1_i32 = arith.constant 1 : i32
    %c0_i32 = arith.constant 0 : i32
    %c0_i32_0 = arith.constant 0 : i32
    return %c1_i32, %arg0, %c0_i32 : i32, i32, i32
  }
  func.func @transform_2(%arg0: i32) -> (i32, i32) {
    %c0_i32 = arith.constant 0 : i32
    %c0_i32_0 = arith.constant 0 : i32
    return %arg0, %c0_i32 : i32, i32
  }
  func.func @transform_3(%arg0: i32) -> (i32, i32) {
    %c0_i32 = arith.constant 0 : i32
    %c0_i32_0 = arith.constant 0 : i32
    return %arg0, %c0_i32 : i32, i32
  }
  func.func @transform_4(%arg0: i32) -> (i32, i32) {
    %c0_i32 = arith.constant 0 : i32
    %c0_i32_0 = arith.constant 0 : i32
    return %arg0, %c0_i32 : i32, i32
  }
  func.func @transform_5(%arg0: i32) -> (i32, i32, i32) {
    %c0_i32 = arith.constant 0 : i32
    %c0_i32_0 = arith.constant 0 : i32
    %c0_i32_1 = arith.constant 0 : i32
    return %arg0, %c0_i32, %c0_i32_0 : i32, i32, i32
  }
  func.func @transform_6(%arg0: i32) -> (i32, i32) {
    %c0_i32 = arith.constant 0 : i32
    %c0_i32_0 = arith.constant 0 : i32
    %c0_i32_1 = arith.constant 0 : i32
    return %c0_i32, %c0_i32_0 : i32, i32
  }
  func.func @transform_7(%arg0: i32) -> (i32, i32) {
    %c0_i32 = arith.constant 0 : i32
    %c0_i32_0 = arith.constant 0 : i32
    %c0_i32_1 = arith.constant 0 : i32
    return %c0_i32, %c0_i32_0 : i32, i32
  }
  func.func @transform_8(%arg0: i32) -> (i32, i32) {
    %c0_i32 = arith.constant 0 : i32
    %c0_i32_0 = arith.constant 0 : i32
    %c0_i32_1 = arith.constant 0 : i32
    return %c0_i32, %c0_i32_0 : i32, i32
  }
  func.func @transform_9(%arg0: i32) -> (i32, i32) {
    %c0_i32 = arith.constant 0 : i32
    %c0_i32_0 = arith.constant 0 : i32
    %c0_i32_1 = arith.constant 0 : i32
    return %c0_i32, %c0_i32_0 : i32, i32
  }
}

</mosaic_0001>

<sc_bundles>
// kernel: kernel.6.cloned.1.call-start
scs
__scs_entry_jumppad:
0x0: {  	(pc) =	sbr.rel $0x88, $3  }
0x1: {  	(tag) =	ssettag $0x0;
	lr =	simm.s32 $0x1  }
0x2: {  	[smem:$0x3F9A] =	sst lr;
	_ =	strace $0xD0000000  }
0x3: {  	_ = 	snop  }
0x4: {  	_ = 	snop  }
0x5: {  	_ = 	snop  }
0x6: {  	_ = 	snop  }
0x7: {  	_ = 	snop  }
__scs_overlays_trampoline_lowered:
0x8: {  	[smem:$0x3FA9] =	sst s0  }
0x9: {  	[smem:$0x3FAA] =	sst s1  }
0xa: {  	[smem:$0x3FAB] =	sst s2  }
0xb: {  	[smem:$0x3FAC] =	sst s3  }
0xc: {  	[smem:$0x3FAD] =	sst s4  }
0xd: {  	[smem:$0x3FAE] =	sst s5  }
0xe: {  	[smem:$0x3FAF] =	sst s6  }
0xf: {  	[smem:$0x3FB0] =	sst s7  }
0x10: {  	[smem:$0x3FB1] =	sst s8  }
0x11: {  	[smem:$0x3FB2] =	sst s9;
	s0 =	simm.s32 @!p0 $0x0  }
0x12: {  	s1 =	sld [smem:$0x3F98];
	s0 =	simm.s32 @p0 $0x1  }
0x13: {  	[smem:$0x3FB3] =	sst s0;
	s0 =	simm.s32 @!p1 $0x0  }
0x14: {  	s2 =	sld [smem:$0x3F97];
	s0 =	simm.s32 @p1 $0x1  }
0x15: {  	[smem:$0x3FB4] =	sst s0;
	s0 =	simm.s32 @!p2 $0x0  }
0x16: {  	s3 =	sld [smem:$0x3FDB];
	s0 =	simm.s32 @p2 $0x1  }
0x17: {  	s4 =	simm.s32 $0x1BF5;
	[smem:$0x3FB6] =	sst s0  }
0x18: {  	s0 =	sld [smem:$0x3F99];
	_ =	swait.ge [sflag:s4], $0x0  }
0x19: {  	s7 =	sld [smem:$0x3F9A]  }
0x1a: {  	s8 =	sadd.s32 $0xFFFFE003, lr  }
0x1b: {  	s9 =	sadd.s32 $0xFFFFFEF7, lr;
	s5 =	simm.s32 $0xFFFFFFFF;
	p2 =	slt.u32 s8, $0xFFFFF086  }
0x1c: {  	p1 =	slt.u32 s9, $0xF7A;
	s5 =	simm.s32 @!p2 $0x0  }
0x1d: {  	s5 =	simm.s32 @p1 $0x1;
	p0 =	seq.s32 s7, s2  }
0x1e: {  	s7 =	smul.u32 @!p0 $0xF7A, s2;
	p2 =	seq.s32 @!p0 s5, $0x0  }
0x1f: {  	s9 =	smul.u32 $0xF7A, s1;
	s8 =	simm.s32 @!p0 $0x1BF5;
	p2 =	por !p2, p0  }
0x20: {  	[sflag:s8] =	ssyncset.s32 @!p0 $0xFFFFF086;
	s6 =	sadd.s32 @!p0 s3, s7;
	s7 =	simm.s32 @!p0 $0x108  }
0x21: {  	s3 =	sadd.s32 s3, s9;
	s6 =	sadd.s32 @!p0 $0x88, s6;
	s7 =	simm.s32 @p2 $0x1082  }
0x22: {  	[simem:s7], [sflag:s8] =	dma.local @!p0 [hbm:s6], $0xF7A  }
0x23: {  	s9 =	sor.u32 $0xD0000000, s2;
	s6 =	simm.s32 $0x108;
	_ =	swait.ge @!p0 [sflag:s8], $0x0  }
0x24: {  	s3 =	sadd.s32 $0x88, s3;
	s6 =	simm.s32 @!p1 $0x1082;
	[sflag:s4] =	ssyncset.s32 $0xFFFFF086  }
0x25: {  	[simem:s6], [sflag:s4] =	dma.local [hbm:s3], $0xF7A  }
0x26: {  	[smem:$0x3F9A] =	sst s1;
	(tag) =	ssettag s2;
	_ =	strace s9  }
0x27: {  	s1 =	sld [smem:$0x3FAA]  }
0x28: {  	s2 =	sld [smem:$0x3FAB]  }
0x29: {  	s4 =	sld [smem:$0x3FAD]  }
0x2a: {  	p0 =	seq.s32 s5, $0x0;
	s5 =	sld [smem:$0x3FAE]  }
0x2b: {  	s6 =	sld [smem:$0x3FAF]  }
0x2c: {  	s7 =	sld [smem:$0x3FB0]  }
0x2d: {  	s3 =	simm.s32 $0x108;
	s8 =	sld [smem:$0x3FB1]  }
0x2e: {  	s3 =	simm.s32 @!p0 $0x1082;
	s9 =	sld [smem:$0x3FB2]  }
0x2f: {  	lr =	sadd.s32 s0, s3;
	s0 =	sld [smem:$0x3FA9]  }
0x30: {  	s3 =	sld [smem:$0x3FAC]  }
0x31: {  	[smem:$0x3FB5] =	sst s10  }
0x32: {  	s10 =	sld [smem:$0x3FB3];
	_ =	sdelay $0x3  }
0x33: {  	p0 =	seq.s32 s10, $0x1;
	s10 =	sld [smem:$0x3FB5];
	_ =	sdelay $0x3  }
0x34: {  	[smem:$0x3FB5] =	sst s10  }
0x35: {  	s10 =	sld [smem:$0x3FB4];
	_ =	sdelay $0x3  }
0x36: {  	p1 =	seq.s32 s10, $0x1;
	s10 =	sld [smem:$0x3FB5];
	_ =	sdelay $0x3  }
0x37: {  	[smem:$0x3FB5] =	sst s10  }
0x38: {  	s10 =	sld [smem:$0x3FB6]  }
0x39: {  	_ = 	snop;
	(pc) =	sbr.ind lr, $3  }
0x3a: {  	_ = 	snop  }
0x3b: {  	_ = 	snop  }
0x3c: {  	p2 =	seq.s32 s10, $0x1;
	s10 =	sld [smem:$0x3FB5]  }
0x3d: {  	_ =	shalt  }
0x3e: {  	_ =	shalt  }
0x3f: {  	_ =	shalt  }
0x40: {  	_ =	shalt  }
0x41: {  	_ =	shalt  }
0x42: {  	_ =	shalt  }
0x43: {  	_ =	shalt  }
0x44: {  	_ =	shalt  }
0x45: {  	_ =	shalt  }
0x46: {  	_ =	shalt  }
0x47: {  	_ =	shalt  }
0x48: {  	_ =	shalt  }
0x49: {  	_ =	shalt  }
0x4a: {  	_ =	shalt  }
0x4b: {  	_ =	shalt  }
0x4c: {  	_ =	shalt  }
0x4d: {  	_ =	shalt  }
0x4e: {  	_ =	shalt  }
0x4f: {  	_ =	shalt  }
0x50: {  	_ =	shalt  }
0x51: {  	_ =	shalt  }
0x52: {  	_ =	shalt  }
0x53: {  	_ =	shalt  }
0x54: {  	_ =	shalt  }
0x55: {  	_ =	shalt  }
0x56: {  	_ =	shalt  }
0x57: {  	_ =	shalt  }
0x58: {  	_ =	shalt  }
0x59: {  	_ =	shalt  }
0x5a: {  	_ =	shalt  }
0x5b: {  	_ =	shalt  }
0x5c: {  	_ =	shalt  }
0x5d: {  	_ =	shalt  }
0x5e: {  	_ =	shalt  }
0x5f: {  	_ =	shalt  }
0x60: {  	_ =	shalt  }
0x61: {  	_ =	shalt  }
0x62: {  	_ =	shalt  }
0x63: {  	_ =	shalt  }
0x64: {  	_ =	shalt  }
0x65: {  	_ =	shalt  }
0x66: {  	_ =	shalt  }
0x67: {  	_ =	shalt  }
0x68: {  	_ =	shalt  }
0x69: {  	_ =	shalt  }
0x6a: {  	_ =	shalt  }
0x6b: {  	_ =	shalt  }
0x6c: {  	_ =	shalt  }
0x6d: {  	_ =	shalt  }
0x6e: {  	_ =	shalt  }
0x6f: {  	_ =	shalt  }
0x70: {  	_ =	shalt  }
0x71: {  	_ =	shalt  }
0x72: {  	_ =	shalt  }
0x73: {  	_ =	shalt  }
0x74: {  	_ =	shalt  }
0x75: {  	_ =	shalt  }
0x76: {  	_ =	shalt  }
0x77: {  	_ =	shalt  }
0x78: {  	_ =	shalt  }
0x79: {  	_ =	shalt  }
0x7a: {  	_ =	shalt  }
0x7b: {  	_ =	shalt  }
0x7c: {  	_ =	shalt  }
0x7d: {  	_ =	shalt  }
0x7e: {  	_ =	shalt  }
0x7f: {  	_ =	shalt  }
0x80: {  	_ =	shalt  }
0x81: {  	_ =	shalt  }
0x82: {  	_ =	shalt  }
0x83: {  	_ =	shalt  }
0x84: {  	_ =	shalt  }
0x85: {  	_ =	shalt  }
0x86: {  	_ =	shalt  }
0x87: {  	_ =	shalt  }
.Lfunc_end0:
.L_simem_size_0:
called_computation_lowered:
.L_overlay_start_0:
0x88: {  	s2 =	sld [smem:$0x3FD9]  }
0x89: {  	s3 =	sld [smem:$0x3FFE];
	_ =	sdelay $0x1  }
0x8a: {  	s1 =	srdreg.scid  }
0x8b: {  	s0 =	sand.u32 $0x1, s1  }
0x8c: {  	s16 =	sshll.u32 s0, $0xA;
	s2 =	sadd.s32 s3, s2  }
0x8d: {  	s2 =	sadd.s32 s2, s16  }
0x8e: {  	[smem:$0x3FC1] =	sst s2  }
0x8f: {  	_ = 	snop  }
0x90: {  	(tm) =	ssettm $0x1  }
0x91: {  	s17 =	sld [smem:$0x3FFB];
	_ =	sdelay $0x3  }
0x92: {  	_ =	strace s17  }
0x93: {  	s2 =	sld [smem:$0x3FFC];
	_ =	sdelay $0x3  }
0x94: {  	_ =	strace s2  }
0x95: {  	s2 =	sld [smem:$0x3FFD];
	_ =	sdelay $0x3  }
0x96: {  	_ =	strace s2  }
0x97: {  	_ =	strace $0x8FFFFFFF  }
0x98: {  	s18 =	sld [smem:$0x3FDB];
	_ =	sdelay $0x1  }
0x99: {  	s19 =	simm.s32 $_scs_section_size  }
0x9a: {  	s4 =	simm.s32 $_size__tile_overlayer_lowered;
	s5 =	simm.s32 $_tile_overlayer_lowered  }
0x9b: {  	s22 =	simm.s32 $0x1BFF;
	s21 =	sshll.u32 s5, $0x1;
	s2 =	sadd.s32 s19, s18  }
0x9c: {  	s6 =	simm.s32 $0x0;
	s20 =	sshll.u32 s4, $0x1;
	s4 =	sadd.s32 s21, s2  }
0x9d: {  	[timem:s6], [sflag:s22] =	dma.local [hbm:s4], s20  }
0x9e: {  	_ =	swait.ge [sflag:s22], s20  }
0x9f: {  	s3 =	ssub.s32 $0x0, s20;
	[sflag:s22] =	ssyncset.done $0x0  }
0xa0: {  	[sflag:s22] =	ssyncadd.s32 s3;
	_ =	sdelay $0x1  }
0xa1: {  	s23 =	simm.s32 $0x1B8B  }
0xa2: {  	_ =	swait.ge [sflag:s23], $0x1  }
0xa3: {  	[sflag:s23] =	ssyncset.done $0x0  }
0xa4: {  	s25 =	simm.s32 $0x1B8E;
	s24 =	sld [smem:$0x3FFE];
	[sflag:s23] =	ssyncadd.s32 $0xFFFFFFFF  }
0xa5: {  	s26 =	simm.s32 $execute0_lowered;
	[smem:$0x3FD2] =	sst s25  }
0xa6: {  	s4 =	sshll.u32 s26, $0x1;
	_ =	strace $0x80000046;
	[dreg:$0x1] =	wrdreg $0xFFFFFFFF  }
0xa7: {  	s28 =	simm.s32 $_size_execute0_lowered;
	s2 =	sadd.s32 s2, s4;
	[dreg:$0x0] =	wrdreg $0x0  }
0xa8: {  	s4 =	sshll.u32 s28, $0x1;
	[dreg:$0x2] =	wrdreg s2  }
0xa9: {  	[dreg:$0x3] =	wrdreg s4  }
0xaa: {  	[dreg:$0x4] =	wrdreg $0xC0  }
0xab: {  	_ =	task [dreg:s6], $0x5FFFF  }
0xac: {  	[dreg:$0x1] =	wrdreg $0xFFFFFFFF  }
0xad: {  	[dreg:$0x0] =	wrdreg $0x60  }
0xae: {  	[dreg:$0x2] =	wrdreg s24  }
0xaf: {  	[dreg:$0x3] =	wrdreg $0x38000  }
0xb0: {  	[dreg:$0x4] =	wrdreg $0x9  }
0xb1: {  	_ =	task.clear_ibuf [dreg:s6], $0x5FFFF;
	_ =	strace $0x90000046  }
0xb2: {  	s29 =	simm.s32 $0x9;
	_ =	strace $0x80000048  }
0xb3: {  	_ =	swait.ge [sflag:s29], $0x1  }
0xb4: {  	[sflag:s29] =	ssyncadd.s32 $0xFFFFFFFF  }
0xb5: {  	_ =	strace $0x90000048  }
0xb6: {  	_ =	sfence  }
0xb7: {  	s30 =	sld [smem:$0x0];
	_ =	sdelay $0x2  }
0xb8: {  	s31 =	sshll.u32 s1, $0xD;
	s1 =	sshrl.u32 s1, $0x2  }
0xb9: {  	s3 =	sand.u32 $0x4000, s31;
	s1 =	sadd.s32 s1, s30  }
0xba: {  	s0 =	sor.u32 s3, s0;
	s1 =	sshll.u32 s1, $0x11  }
0xbb: {  	s0 =	sor.u32 s1, s0  }
0xbc: {  	s0 =	sadd.s32 $0x8F2B, s0  }
0xbd: {  	[sflag:s0] =	ssyncadd.remote.s32 $0x1  }
0xbe: {  	_ =	sfence.sel $0xFFFF  }
0xbf: {  	[dreg:$0x0] =	wrdreg $0xFFFFFFFF;
	(pc) =	sbr.abs _section_cstart, $3  }
0xc0: {  	[dreg:$0x1] =	wrdreg $0xFFFFFFFF  }
0xc1: {  	_ =	task.clear_ibuf [dreg:s6], $0x2FFFF;
	_ =	strace $0x9FFFFFFF  }
0xc2: {  	(tm) =	ssettm $0x7FFFFFFF  }
0xc3: {  	_ =	shalt  }
tec
execute0_lowered:
.L_overlay_start_1:
0x0: {  	(tag) =	ssettag $0x1  }
0x1: {  	s4 =	rddreg [dreg:$0x0];
	s0 =	srdreg.scid  }
0x2: {  	s2 =	rddreg [dreg:$0x1];
	s1 =	stileid.u32  }
0x3: {  	s3 =	simm.s32 $0x0;
	s12 =	simm.s32 $0x1;
	s13 =	simm.s32 $0x3000  }
0x4: {  	s14 =	simm.s32 $0x80;
	s15 =	simm.s32 $0x2800;
	s18 =	simm.s32 $0x0  }
0x5: {  	s5 =	sand.u32 $0x1, s0;
	s0 =	rddreg [dreg:$0x2];
	s7 =	smul.u32 $0x2780, s1  }
0x6: {  	[smem:$0x7FF] =	sst s3;
	s9 =	smul.u32 $0x9E00, s1;
	s16 =	sshll.u32 s1, $0x6  }
0x7: {  	s6 =	sshll.u32 s5, $0x4;
	s8 =	smul.u32 $0x27800, s5;
	_ =	strace $0x80000047  }
0x8: {  	s5 =	ssub.s32 $0x2, s5;
	s16 =	sor.u32 $0x1C01, s16;
	s6 =	sor.u32 s1, s6  }
0x9: {  	s30 =	sshrl.u32 s5, $0x1;
	s31 =	sshrl.u32 s9, $0x2;
	s6 =	smul.u32 $0x500, s6  }
0xa: {  	s8 =	sadd.s32 s7, s8;
	s11 =	ssub.s32 s5, s30;
	s9 =	sadd.s32 s31, s2  }
0xb: {  	s5 =	sadd.s32 s7, s2;
	s8 =	sshrl.u32 s8, $0x3;
	s7 =	sadd.s32 $0x1000, s9  }
0xc: {  	s11 =	smax.u32 s11, $0x1;
	s17 =	sshrl.u32 s5, $0x3;
	s6 =	sadd.s32 s6, s4  }
0xd: {  	s10 =	sadd.s32 s8, s4;
	s8 =	sadd.s32 $0x1800, s9;
	s4 =	sadd.s32 $0x1400, s6  }
0xe: {  	v0 =	vimm.f32 $1.000000000e+00;
	v1 =	vimm.f32 $0.0e+00;
	s6 =	sadd.s32 $0x800, s9;
	s9 =	sadd.s32 $0x2000, s9;
	s10 =	sadd.s32 $0xB400, s10  }
.LBB2_1:
0xf: {  	[tilespmem:s3], [sflag:$0x1] =	stream.linear.gather [hbm4b:s4+s3], $0x2800, $0x38;
	[tilespmem:$0x5F80] =	vst v63  }
0x10: {  	_ =	swait.ge [sflag:s12], $0x2800  }
0x11: {  	[sflag:s12] =	ssyncset.done $0x0  }
0x12: {  	s19 =	simm.s32 $0x40;
	s20 =	simm.s32 $0x0;
	[sflag:s12] =	ssyncadd.s32 $0xFFFFD800  }
.LBB2_2:
0x13: {  	p0 =	sne.s32 s19, $0x1FC0;
	[tilespmem:s20+$0x2800] =	vst v0;
	s21 =	smov.u32 s19;
	s19 =	sadd.s32 $0x40, s19  }
.Ltmp0:
0x14: {  	[tilespmem:s20+$0x3000] =	vst v1;
	(pc) =	sbr.rel @p0 .LBB2_2-.Ltmp0, $2  }
0x15: {  	_ =	sdelay $0x2  }
0x16: {  	s20 =	sshra.s32 s21, $0x2  }
0x17: {  	[tilespmem:s20+$0x2800] =	vst v0  }
0x18: {  	[tilespmem:s20+$0x3000] =	vst v1  }
0x19: {  	[spmem:s5] =	stream.linear.scatter [tilespmem:s13], [sflag:$0x1], $0x800, $0x38;
	[tilespmem:$0x5F80] =	vst v63  }
0x1a: {  	_ =	swait.ge [sflag:s12], $0x800  }
0x1b: {  	[sflag:s12] =	ssyncset.done $0x0  }
0x1c: {  	[sflag:s12] =	ssyncadd.s32 $0xFFFFF800  }
0x1d: {  	[spmem:s6] =	stream.linear.scatter [tilespmem:s13], [sflag:$0x1], $0x800, $0x38;
	[tilespmem:$0x5F80] =	vst v63  }
0x1e: {  	_ =	swait.ge [sflag:s12], $0x800  }
0x1f: {  	[sflag:s12] =	ssyncset.done $0x0  }
0x20: {  	[sflag:s12] =	ssyncadd.s32 $0xFFFFF800  }
0x21: {  	[spmem:s7] =	stream.linear.scatter [tilespmem:s13], [sflag:$0x1], $0x800, $0x38;
	[tilespmem:$0x5F80] =	vst v63  }
0x22: {  	_ =	swait.ge [sflag:s12], $0x800  }
0x23: {  	[sflag:s12] =	ssyncset.done $0x0  }
0x24: {  	[sflag:s12] =	ssyncadd.s32 $0xFFFFF800  }
0x25: {  	[spmem:s8] =	stream.linear.scatter [tilespmem:s13], [sflag:$0x1], $0x800, $0x38;
	[tilespmem:$0x5F80] =	vst v63  }
0x26: {  	_ =	swait.ge [sflag:s12], $0x800  }
0x27: {  	[sflag:s12] =	ssyncset.done $0x0  }
0x28: {  	[sflag:s12] =	ssyncadd.s32 $0xFFFFF800  }
0x29: {  	[spmem:s9] =	stream.linear.scatter [tilespmem:s13], [sflag:$0x1], $0x780, $0x38;
	[tilespmem:$0x5F80] =	vst v63  }
0x2a: {  	_ =	swait.ge [sflag:s12], $0x780  }
0x2b: {  	[sflag:s12] =	ssyncset.done $0x0  }
0x2c: {  	[sflag:s12] =	ssyncadd.s32 $0xFFFFF880  }
0x2d: {  	s19 =	simm.s32 $0x0;
	[bflag:$0x0] =	sbarrier.arrive $0xFFFF  }
0x2e: {  	[spmem:s2] =	stream.indirect.scatter.add.f32 [tilespmem:s15], [sflag:$0x1], $0x10, s19, s14, $0xb8;
	[tilespmem:$0x5F80] =	vst v63  }
0x2f: {  	_ =	swait.ge [sflag:s12], $0x800  }
0x30: {  	s19 =	simm.s32 $0x200;
	[sflag:s12] =	ssyncset.done $0x0  }
.LBB2_4:
0x31: {  	s20 =	sshra.s32 s19, $0x2;
	[sflag:s12] =	ssyncadd.s32 $0xFFFFF800;
	p0 =	sne.s32 s19, $0x9E00  }
0x32: {  	[spmem:s2] =	stream.indirect.scatter.add.f32 [tilespmem:s15], [sflag:$0x1], $0x10, s20, s14, $0xb8;
	[tilespmem:$0x5F80] =	vst v63  }
.Ltmp1:
0x33: {  	_ = 	snop;
	(pc) =	sbr.rel @p0 .LBB2_4-.Ltmp1, $4  }
0x34: {  	_ = 	snop  }
0x35: {  	s19 =	sadd.s32 $0x200, s19  }
0x36: {  	_ =	swait.ge [sflag:s12], $0x800  }
0x37: {  	[sflag:s12] =	ssyncset.done $0x0  }
0x38: {  	s18 =	sadd.s32 $0x1, s18  }
0x39: {  	[sflag:s12] =	ssyncadd.s32 $0xFFFFF800;
	p0 =	sne.s32 s18, s11  }
.Ltmp2:
0x3a: {  	[bflag:$0x0] =	sbarrier.arrive $0xFFFF;
	(pc) =	sbr.rel @p0 .LBB2_1-.Ltmp2, $4  }
0x3b: {  	[hbm:s10], [sflag:s16] =	dma.local [spmem:s17], $0x4F0  }
0x3c: {  	_ =	swait.ge [sflag:s12], $0x4F0  }
0x3d: {  	[sflag:s12] =	ssyncset.done $0x0  }
0x3e: {  	[sflag:s12] =	ssyncadd.s32 $0xFFFFFB10  }
0x3f: {  	_ =	sfence.sel $0x180000  }
0x40: {  	[bflag:$0x0] =	sbarrier.arrive $0xFFFF  }
0x41: {  	p0 =	sne.s32 s1, $0x0;
	_ =	strace $0x90000047  }
0x42: {  	s0 =	sadd.s32 @!p0 $0x100000, s0;
	[bflag:$0x2] =	sbarrier.arrive $0xFFFF  }
0x43: {  	[sflag:s0] =	ssyncadd.tile.s32 @!p0 $0x1;
	_ =	shalt  }
.Lfunc_end2:
_tile_overlayer_lowered:
.L_overlay_start_2:
0x44: {  	(tag) =	ssettag $0x2  }
0x45: {  	s0 =	rddreg [dreg:$0x0];
	s2 =	stileid.u32  }
0x46: {  	s1 =	rddreg [dreg:$0x1];
	p0 =	sne.s32 s2, $0x0  }
0x47: {  	s3 =	rddreg [dreg:$0x2];
	[bflag:$0x3] =	sbarrier.arrive $0xFFFF;
	s2 =	simm.s32 @!p0 $0x1C01  }
0x48: {  	[timem:s3], [sflag:s2] =	dma.local @!p0 [hbm:s0], s1  }
0x49: {  	s0 =	simm.s32 @!p0 $0x1  }
0x4a: {  	_ =	swait.ge @!p0 [sflag:s0], s1  }
0x4b: {  	s1 =	ssub.s32 @!p0 $0x0, s1;
	[sflag:s0] =	ssyncset.done @!p0 $0x0  }
0x4c: {  	[sflag:s0] =	ssyncadd.s32 @!p0 s1  }
0x4d: {  	[bflag:$0x3] =	sbarrier.arrive $0xFFFF  }
0x4e: {  	_ =	shalt  }

// kernel: kernel.9.cloned.1.call-start
scs
__scs_entry_jumppad:
0x0: {  	(pc) =	sbr.rel $0x88, $3  }
0x1: {  	(tag) =	ssettag $0x0;
	lr =	simm.s32 $0x1  }
0x2: {  	[smem:$0x3F9A] =	sst lr;
	_ =	strace $0xD0000000  }
0x3: {  	_ = 	snop  }
0x4: {  	_ = 	snop  }
0x5: {  	_ = 	snop  }
0x6: {  	_ = 	snop  }
0x7: {  	_ = 	snop  }
__scs_overlays_trampoline_lowered:
0x8: {  	[smem:$0x3FA9] =	sst s0  }
0x9: {  	[smem:$0x3FAA] =	sst s1  }
0xa: {  	[smem:$0x3FAB] =	sst s2  }
0xb: {  	[smem:$0x3FAC] =	sst s3  }
0xc: {  	[smem:$0x3FAD] =	sst s4  }
0xd: {  	[smem:$0x3FAE] =	sst s5  }
0xe: {  	[smem:$0x3FAF] =	sst s6  }
0xf: {  	[smem:$0x3FB0] =	sst s7  }
0x10: {  	[smem:$0x3FB1] =	sst s8  }
0x11: {  	[smem:$0x3FB2] =	sst s9;
	s0 =	simm.s32 @!p0 $0x0  }
0x12: {  	s1 =	sld [smem:$0x3F98];
	s0 =	simm.s32 @p0 $0x1  }
0x13: {  	[smem:$0x3FB3] =	sst s0;
	s0 =	simm.s32 @!p1 $0x0  }
0x14: {  	s2 =	sld [smem:$0x3F97];
	s0 =	simm.s32 @p1 $0x1  }
0x15: {  	[smem:$0x3FB4] =	sst s0;
	s0 =	simm.s32 @!p2 $0x0  }
0x16: {  	s3 =	sld [smem:$0x3FDB];
	s0 =	simm.s32 @p2 $0x1  }
0x17: {  	s4 =	simm.s32 $0x1BF5;
	[smem:$0x3FB6] =	sst s0  }
0x18: {  	s0 =	sld [smem:$0x3F99];
	_ =	swait.ge [sflag:s4], $0x0  }
0x19: {  	s7 =	sld [smem:$0x3F9A]  }
0x1a: {  	s8 =	sadd.s32 $0xFFFFE003, lr  }
0x1b: {  	s9 =	sadd.s32 $0xFFFFFEF7, lr;
	s5 =	simm.s32 $0xFFFFFFFF;
	p2 =	slt.u32 s8, $0xFFFFF086  }
0x1c: {  	p1 =	slt.u32 s9, $0xF7A;
	s5 =	simm.s32 @!p2 $0x0  }
0x1d: {  	s5 =	simm.s32 @p1 $0x1;
	p0 =	seq.s32 s7, s2  }
0x1e: {  	s7 =	smul.u32 @!p0 $0xF7A, s2;
	p2 =	seq.s32 @!p0 s5, $0x0  }
0x1f: {  	s9 =	smul.u32 $0xF7A, s1;
	s8 =	simm.s32 @!p0 $0x1BF5;
	p2 =	por !p2, p0  }
0x20: {  	[sflag:s8] =	ssyncset.s32 @!p0 $0xFFFFF086;
	s6 =	sadd.s32 @!p0 s3, s7;
	s7 =	simm.s32 @!p0 $0x108  }
0x21: {  	s3 =	sadd.s32 s3, s9;
	s6 =	sadd.s32 @!p0 $0x88, s6;
	s7 =	simm.s32 @p2 $0x1082  }
0x22: {  	[simem:s7], [sflag:s8] =	dma.local @!p0 [hbm:s6], $0xF7A  }
0x23: {  	s9 =	sor.u32 $0xD0000000, s2;
	s6 =	simm.s32 $0x108;
	_ =	swait.ge @!p0 [sflag:s8], $0x0  }
0x24: {  	s3 =	sadd.s32 $0x88, s3;
	s6 =	simm.s32 @!p1 $0x1082;
	[sflag:s4] =	ssyncset.s32 $0xFFFFF086  }
0x25: {  	[simem:s6], [sflag:s4] =	dma.local [hbm:s3], $0xF7A  }
0x26: {  	[smem:$0x3F9A] =	sst s1;
	(tag) =	ssettag s2;
	_ =	strace s9  }
0x27: {  	s1 =	sld [smem:$0x3FAA]  }
0x28: {  	s2 =	sld [smem:$0x3FAB]  }
0x29: {  	s4 =	sld [smem:$0x3FAD]  }
0x2a: {  	p0 =	seq.s32 s5, $0x0;
	s5 =	sld [smem:$0x3FAE]  }
0x2b: {  	s6 =	sld [smem:$0x3FAF]  }
0x2c: {  	s7 =	sld [smem:$0x3FB0]  }
0x2d: {  	s3 =	simm.s32 $0x108;
	s8 =	sld [smem:$0x3FB1]  }
0x2e: {  	s3 =	simm.s32 @!p0 $0x1082;
	s9 =	sld [smem:$0x3FB2]  }
0x2f: {  	lr =	sadd.s32 s0, s3;
	s0 =	sld [smem:$0x3FA9]  }
0x30: {  	s3 =	sld [smem:$0x3FAC]  }
0x31: {  	[smem:$0x3FB5] =	sst s10  }
0x32: {  	s10 =	sld [smem:$0x3FB3];
	_ =	sdelay $0x3  }
0x33: {  	p0 =	seq.s32 s10, $0x1;
	s10 =	sld [smem:$0x3FB5];
	_ =	sdelay $0x3  }
0x34: {  	[smem:$0x3FB5] =	sst s10  }
0x35: {  	s10 =	sld [smem:$0x3FB4];
	_ =	sdelay $0x3  }
0x36: {  	p1 =	seq.s32 s10, $0x1;
	s10 =	sld [smem:$0x3FB5];
	_ =	sdelay $0x3  }
0x37: {  	[smem:$0x3FB5] =	sst s10  }
0x38: {  	s10 =	sld [smem:$0x3FB6]  }
0x39: {  	_ = 	snop;
	(pc) =	sbr.ind lr, $3  }
0x3a: {  	_ = 	snop  }
0x3b: {  	_ = 	snop  }
0x3c: {  	p2 =	seq.s32 s10, $0x1;
	s10 =	sld [smem:$0x3FB5]  }
0x3d: {  	_ =	shalt  }
0x3e: {  	_ =	shalt  }
0x3f: {  	_ =	shalt  }
0x40: {  	_ =	shalt  }
0x41: {  	_ =	shalt  }
0x42: {  	_ =	shalt  }
0x43: {  	_ =	shalt  }
0x44: {  	_ =	shalt  }
0x45: {  	_ =	shalt  }
0x46: {  	_ =	shalt  }
0x47: {  	_ =	shalt  }
0x48: {  	_ =	shalt  }
0x49: {  	_ =	shalt  }
0x4a: {  	_ =	shalt  }
0x4b: {  	_ =	shalt  }
0x4c: {  	_ =	shalt  }
0x4d: {  	_ =	shalt  }
0x4e: {  	_ =	shalt  }
0x4f: {  	_ =	shalt  }
0x50: {  	_ =	shalt  }
0x51: {  	_ =	shalt  }
0x52: {  	_ =	shalt  }
0x53: {  	_ =	shalt  }
0x54: {  	_ =	shalt  }
0x55: {  	_ =	shalt  }
0x56: {  	_ =	shalt  }
0x57: {  	_ =	shalt  }
0x58: {  	_ =	shalt  }
0x59: {  	_ =	shalt  }
0x5a: {  	_ =	shalt  }
0x5b: {  	_ =	shalt  }
0x5c: {  	_ =	shalt  }
0x5d: {  	_ =	shalt  }
0x5e: {  	_ =	shalt  }
0x5f: {  	_ =	shalt  }
0x60: {  	_ =	shalt  }
0x61: {  	_ =	shalt  }
0x62: {  	_ =	shalt  }
0x63: {  	_ =	shalt  }
0x64: {  	_ =	shalt  }
0x65: {  	_ =	shalt  }
0x66: {  	_ =	shalt  }
0x67: {  	_ =	shalt  }
0x68: {  	_ =	shalt  }
0x69: {  	_ =	shalt  }
0x6a: {  	_ =	shalt  }
0x6b: {  	_ =	shalt  }
0x6c: {  	_ =	shalt  }
0x6d: {  	_ =	shalt  }
0x6e: {  	_ =	shalt  }
0x6f: {  	_ =	shalt  }
0x70: {  	_ =	shalt  }
0x71: {  	_ =	shalt  }
0x72: {  	_ =	shalt  }
0x73: {  	_ =	shalt  }
0x74: {  	_ =	shalt  }
0x75: {  	_ =	shalt  }
0x76: {  	_ =	shalt  }
0x77: {  	_ =	shalt  }
0x78: {  	_ =	shalt  }
0x79: {  	_ =	shalt  }
0x7a: {  	_ =	shalt  }
0x7b: {  	_ =	shalt  }
0x7c: {  	_ =	shalt  }
0x7d: {  	_ =	shalt  }
0x7e: {  	_ =	shalt  }
0x7f: {  	_ =	shalt  }
0x80: {  	_ =	shalt  }
0x81: {  	_ =	shalt  }
0x82: {  	_ =	shalt  }
0x83: {  	_ =	shalt  }
0x84: {  	_ =	shalt  }
0x85: {  	_ =	shalt  }
0x86: {  	_ =	shalt  }
0x87: {  	_ =	shalt  }
.Lfunc_end0:
.L_simem_size_0:
called_computation.1_lowered:
.L_overlay_start_0:
0x88: {  	s2 =	sld [smem:$0x3FD9]  }
0x89: {  	s3 =	sld [smem:$0x3FFE];
	_ =	sdelay $0x1  }
0x8a: {  	s1 =	srdreg.scid  }
0x8b: {  	s0 =	sand.u32 $0x1, s1  }
0x8c: {  	s16 =	sshll.u32 s0, $0xA;
	s2 =	sadd.s32 s3, s2  }
0x8d: {  	s2 =	sadd.s32 s2, s16  }
0x8e: {  	[smem:$0x3FC1] =	sst s2  }
0x8f: {  	_ = 	snop  }
0x90: {  	(tm) =	ssettm $0x1  }
0x91: {  	s17 =	sld [smem:$0x3FFB];
	_ =	sdelay $0x3  }
0x92: {  	_ =	strace s17  }
0x93: {  	s2 =	sld [smem:$0x3FFC];
	_ =	sdelay $0x3  }
0x94: {  	_ =	strace s2  }
0x95: {  	s2 =	sld [smem:$0x3FFD];
	_ =	sdelay $0x3  }
0x96: {  	_ =	strace s2  }
0x97: {  	_ =	strace $0x8FFFFFFF  }
0x98: {  	s18 =	sld [smem:$0x3FDB];
	_ =	sdelay $0x1  }
0x99: {  	s19 =	simm.s32 $_scs_section_size  }
0x9a: {  	s4 =	simm.s32 $_size__tile_overlayer_lowered;
	s5 =	simm.s32 $_tile_overlayer_lowered  }
0x9b: {  	s22 =	simm.s32 $0x1BFF;
	s21 =	sshll.u32 s5, $0x1;
	s2 =	sadd.s32 s19, s18  }
0x9c: {  	s6 =	simm.s32 $0x0;
	s20 =	sshll.u32 s4, $0x1;
	s4 =	sadd.s32 s21, s2  }
0x9d: {  	[timem:s6], [sflag:s22] =	dma.local [hbm:s4], s20  }
0x9e: {  	_ =	swait.ge [sflag:s22], s20  }
0x9f: {  	s3 =	ssub.s32 $0x0, s20;
	[sflag:s22] =	ssyncset.done $0x0  }
0xa0: {  	[sflag:s22] =	ssyncadd.s32 s3;
	_ =	sdelay $0x1  }
0xa1: {  	s23 =	simm.s32 $0x1B8B  }
0xa2: {  	_ =	swait.ge [sflag:s23], $0x1  }
0xa3: {  	[sflag:s23] =	ssyncset.done $0x0  }
0xa4: {  	s25 =	simm.s32 $0x1B8E;
	s24 =	sld [smem:$0x3FFE];
	[sflag:s23] =	ssyncadd.s32 $0xFFFFFFFF  }
0xa5: {  	s26 =	simm.s32 $execute0_lowered;
	[smem:$0x3FD2] =	sst s25  }
0xa6: {  	s4 =	sshll.u32 s26, $0x1;
	_ =	strace $0x80000049;
	[dreg:$0x1] =	wrdreg $0xFFFFFFFF  }
0xa7: {  	s28 =	simm.s32 $_size_execute0_lowered;
	s2 =	sadd.s32 s2, s4;
	[dreg:$0x0] =	wrdreg $0x0  }
0xa8: {  	s4 =	sshll.u32 s28, $0x1;
	[dreg:$0x2] =	wrdreg s2  }
0xa9: {  	[dreg:$0x3] =	wrdreg s4  }
0xaa: {  	[dreg:$0x4] =	wrdreg $0xC0  }
0xab: {  	_ =	task [dreg:s6], $0x5FFFF  }
0xac: {  	[dreg:$0x1] =	wrdreg $0xFFFFFFFF  }
0xad: {  	[dreg:$0x0] =	wrdreg $0x60  }
0xae: {  	[dreg:$0x2] =	wrdreg s24  }
0xaf: {  	[dreg:$0x3] =	wrdreg $0x68000  }
0xb0: {  	[dreg:$0x4] =	wrdreg $0x104400  }
0xb1: {  	[dreg:$0x5] =	wrdreg $0x9  }
0xb2: {  	_ =	task.clear_ibuf [dreg:s6], $0x6FFFF;
	_ =	strace $0x90000049  }
0xb3: {  	s29 =	simm.s32 $0x9;
	_ =	strace $0x8000004B  }
0xb4: {  	_ =	swait.ge [sflag:s29], $0x1  }
0xb5: {  	[sflag:s29] =	ssyncadd.s32 $0xFFFFFFFF  }
0xb6: {  	_ =	strace $0x9000004B  }
0xb7: {  	_ =	sfence  }
0xb8: {  	s30 =	sld [smem:$0x0];
	_ =	sdelay $0x2  }
0xb9: {  	s31 =	sshll.u32 s1, $0xD;
	s1 =	sshrl.u32 s1, $0x2  }
0xba: {  	s3 =	sand.u32 $0x4000, s31;
	s1 =	sadd.s32 s1, s30  }
0xbb: {  	s0 =	sor.u32 s3, s0;
	s1 =	sshll.u32 s1, $0x11  }
0xbc: {  	s0 =	sor.u32 s1, s0  }
0xbd: {  	s0 =	sadd.s32 $0x8F2B, s0  }
0xbe: {  	[sflag:s0] =	ssyncadd.remote.s32 $0x1  }
0xbf: {  	_ =	sfence.sel $0xFFFF  }
0xc0: {  	[dreg:$0x0] =	wrdreg $0xFFFFFFFF;
	(pc) =	sbr.abs _section_cstart, $3  }
0xc1: {  	[dreg:$0x1] =	wrdreg $0xFFFFFFFF  }
0xc2: {  	_ =	task.clear_ibuf [dreg:s6], $0x2FFFF;
	_ =	strace $0x9FFFFFFF  }
0xc3: {  	(tm) =	ssettm $0x7FFFFFFF  }
tec
execute0_lowered:
.L_overlay_start_1:
0x0: {  	(tag) =	ssettag $0x1  }
0x1: {  	s0 =	rddreg [dreg:$0x0]  }
0x2: {  	s2 =	rddreg [dreg:$0x1]  }
0x3: {  	s3 =	rddreg [dreg:$0x2];
	s10 =	stileid.u32  }
0x4: {  	s4 =	srdreg.scid;
	s6 =	simm.s32 $0x0;
	s19 =	simm.s32 $0x3  }
0x5: {  	s20 =	simm.s32 $0x2800;
	s28 =	simm.s32 $0x1300;
	s29 =	simm.s32 $0x2680  }
0x6: {  	s30 =	simm.s32 $0x1380;
	s31 =	simm.s32 $0x2700;
	s1 =	smul.u32 $0x13880, s10  }
0x7: {  	s4 =	sand.u32 $0x1, s4;
	s5 =	smul.u32 $0x13C00, s10;
	[smem:$0x7FF] =	sst s6  }
0x8: {  	s14 =	sadd.s32 $0x15200, s0;
	s15 =	sadd.s32 $0x1400, s0;
	s22 =	smul.u32 $0x27800, s10  }
0x9: {  	s23 =	sshll.u32 s10, $0x6;
	s7 =	smul.u32 $0x13C000, s4;
	_ =	strace $0x8000004A  }
0xa: {  	s8 =	ssub.s32 $0x2, s4;
	s4 =	sshll.u32 s4, $0x4;
	s21 =	sshrl.u32 s1, $0x4  }
0xb: {  	s9 =	sshrl.u32 s8, $0x1;
	s4 =	sor.u32 s10, s4;
	s1 =	sshrl.u32 s1, $0x1  }
0xc: {  	s24 =	sshrl.u32 s22, $0x2;
	s22 =	simm.s32 $0x80;
	s6 =	sadd.s32 s21, s0  }
0xd: {  	s7 =	sadd.s32 s5, s7;
	s17 =	ssub.s32 s8, s9;
	s1 =	sadd.s32 s1, s2  }
0xe: {  	s5 =	sshrl.u32 s5, $0x1;
	s4 =	smul.u32 $0x2800, s4;
	s25 =	sadd.s32 s24, s3  }
0xf: {  	s21 =	simm.s32 $0x1400;
	s24 =	simm.s32 $0x1;
	s7 =	sshrl.u32 s7, $0x4  }
0x10: {  	s6 =	sadd.s32 $0x1F200, s6;
	s8 =	sadd.s32 $0x2000, s25;
	s9 =	sadd.s32 $0x4000, s25  }
0x11: {  	s10 =	sadd.s32 $0x6000, s25;
	s11 =	sadd.s32 $0x8000, s25;
	s17 =	smax.u32 s17, $0x1  }
0x12: {  	s18 =	sshrl.u32 s1, $0x3;
	s25 =	simm.s32 $0x2;
	s1 =	simm.s32 $0x0  }
0x13: {  	s0 =	sadd.s32 s7, s0;
	[dreg:$0x4] =	wrdreg s6;
	s6 =	sor.u32 $0x1C03, s23  }
0x14: {  	s7 =	sadd.s32 s5, s3;
	[dreg:$0x5] =	wrdreg s8;
	s4 =	sshrl.u32 s4, $0x3  }
0x15: {  	s23 =	simm.s32 $0x4800;
	s26 =	sadd.s32 $0x280, s4;
	s12 =	sadd.s32 s14, s4  }
0x16: {  	s13 =	sadd.s32 s15, s4;
	s16 =	sadd.s32 $0x32C00, s0;
	s0 =	simm.s32 $0x2780  }
0x17: {  	v0 =	vimm.bf16 $0.0e+00;
	s14 =	sadd.s32 s14, s26;
	s15 =	sadd.s32 s15, s26;
	s26 =	simm.s32 $0x2600  }
.LBB2_1:
0x18: {  	s4 =	rddreg [dreg:$0x4]  }
0x19: {  	[spmem:s18], [sflag:s6] =	dma.local [hbm:s4], $0x1388  }
0x1a: {  	s8 =	simm.s32 $0x0;
	_ =	swait.ge [sflag:s19], $0x1388  }
0x1b: {  	s5 =	sand.u32 $0x3FE0, s8;
	[sflag:s19] =	ssyncset.done $0x0  }
0x1c: {  	s4 =	simm.s32 $0x20;
	s5 =	sshrl.u32 s5, $0x1;
	[sflag:s19] =	ssyncadd.s32 $0xFFFFEC78  }
.LBB2_2:
0x1d: {  	p0 =	sne.s32 s4, $0x3FE0;
	[tilespmem:s5+$0x2800] =	vst v0;
	s5 =	smov.u32 s4;
	s4 =	sadd.s32 $0x20, s4  }
.Ltmp0:
0x1e: {  	(pc) =	sbr.rel @p0 .LBB2_2-.Ltmp0, $3  }
0x1f: {  	_ =	sdelay $0x1  }
0x20: {  	s5 =	sand.u32 $0x3FE0, s5  }
0x21: {  	s5 =	sshrl.u32 s5, $0x1  }
0x22: {  	[tilespmem:s5+$0x2800] =	vst v0  }
0x23: {  	[spmem:s7] =	stream.linear.scatter [tilespmem:s20], [sflag:$0x3], $0x2000, $0x38;
	[tilespmem:$0x1A240] =	vst v63  }
0x24: {  	_ =	swait.ge [sflag:s19], $0x2000  }
0x25: {  	[sflag:s19] =	ssyncset.done $0x0  }
0x26: {  	s4 =	rddreg [dreg:$0x5];
	[sflag:s19] =	ssyncadd.s32 $0xFFFFE000  }
0x27: {  	[spmem:s4] =	stream.linear.scatter [tilespmem:s20], [sflag:$0x3], $0x2000, $0x38;
	[tilespmem:$0x1A240] =	vst v63  }
0x28: {  	_ =	swait.ge [sflag:s19], $0x2000  }
0x29: {  	[sflag:s19] =	ssyncset.done $0x0  }
0x2a: {  	[sflag:s19] =	ssyncadd.s32 $0xFFFFE000  }
0x2b: {  	[spmem:s9] =	stream.linear.scatter [tilespmem:s20], [sflag:$0x3], $0x2000, $0x38;
	[tilespmem:$0x1A240] =	vst v63  }
0x2c: {  	_ =	swait.ge [sflag:s19], $0x2000  }
0x2d: {  	[sflag:s19] =	ssyncset.done $0x0  }
0x2e: {  	[sflag:s19] =	ssyncadd.s32 $0xFFFFE000  }
0x2f: {  	[spmem:s10] =	stream.linear.scatter [tilespmem:s20], [sflag:$0x3], $0x2000, $0x38;
	[tilespmem:$0x1A240] =	vst v63  }
0x30: {  	_ =	swait.ge [sflag:s19], $0x2000  }
0x31: {  	[sflag:s19] =	ssyncset.done $0x0  }
0x32: {  	[sflag:s19] =	ssyncadd.s32 $0xFFFFE000  }
0x33: {  	[spmem:s11] =	stream.linear.scatter [tilespmem:s20], [sflag:$0x3], $0x1E00, $0x38;
	[tilespmem:$0x1A240] =	vst v63  }
0x34: {  	_ =	swait.ge [sflag:s19], $0x1E00  }
0x35: {  	[sflag:s19] =	ssyncset.done $0x0  }
0x36: {  	[sflag:s19] =	ssyncadd.s32 $0xFFFFE200  }
0x37: {  	s5 =	simm.s32 $0x0;
	[bflag:$0x0] =	sbarrier.arrive $0xFFFF  }
0x38: {  	[tilespmem:s5], [sflag:$0x3] =	stream.linear.gather [hbm4b:s12+s5], $0x1400, $0x38;
	[tilespmem:$0x1A240] =	vst v63  }
0x39: {  	_ =	swait.ge [sflag:s19], $0x1400  }
0x3a: {  	[sflag:s19] =	ssyncset.done $0x0  }
0x3b: {  	[sflag:s19] =	ssyncadd.s32 $0xFFFFEC00  }
0x3c: {  	[tilespmem:s21], [sflag:$0x3] =	stream.linear.gather [hbm4b:s13+s5], $0x1400, $0x38;
	[tilespmem:$0x1A240] =	vst v63  }
0x3d: {  	_ =	swait.ge [sflag:s19], $0x1400  }
0x3e: {  	[sflag:s19] =	ssyncset.done $0x0  }
0x3f: {  	[sflag:s19] =	ssyncadd.s32 $0xFFFFEC00  }
0x40: {  	[tilespmem:s20], [sflag:$0x1] =	stream.indirect.gather [spmem:s2], $0x40, s5, s22, $0xb8;
	[tilespmem:$0x1A240] =	vst v63  }
0x41: {  	_ = 	snop  }
0x42: {  	[tilespmem:s23], [sflag:$0x2] =	stream.indirect.gather [spmem:s2], $0x40, s22, s22, $0xb8;
	[tilespmem:$0x1A240] =	vst v63  }
0x43: {  	_ =	swait.ge [sflag:s24], $0x2000  }
0x44: {  	[sflag:s24] =	ssyncset.done $0x0  }
0x45: {  	s8 =	simm.s32 $0x1400;
	[sflag:s24] =	ssyncadd.s32 $0xFFFFE000  }
0x46: {  	[spmem:s3] =	stream.indirect.scatter.add.bf16 [tilespmem:s20], [sflag:$0x3], $0x40, s8, s22, $0xb8;
	[tilespmem:$0x1A240] =	vst v63  }
0x47: {  	_ =	swait.ge [sflag:s19], $0x2000  }
0x48: {  	[sflag:s19] =	ssyncset.done $0x0  }
0x49: {  	s5 =	simm.s32 $0x100;
	[sflag:s19] =	ssyncadd.s32 $0xFFFFE000  }
0x4a: {  	[tilespmem:s20], [sflag:$0x1] =	stream.indirect.gather [spmem:s2], $0x40, s5, s22, $0xb8;
	[tilespmem:$0x1A240] =	vst v63  }
0x4b: {  	_ =	swait.ge [sflag:s25], $0x2000  }
0x4c: {  	[sflag:s25] =	ssyncset.done $0x0  }
0x4d: {  	s8 =	simm.s32 $0x1480;
	[sflag:s25] =	ssyncadd.s32 $0xFFFFE000  }
0x4e: {  	[spmem:s3] =	stream.indirect.scatter.add.bf16 [tilespmem:s23], [sflag:$0x3], $0x40, s8, s22, $0xb8;
	[tilespmem:$0x1A240] =	vst v63  }
0x4f: {  	_ =	swait.ge [sflag:s19], $0x2000  }
0x50: {  	[sflag:s19] =	ssyncset.done $0x0  }
0x51: {  	s4 =	simm.s32 $0x400;
	s5 =	simm.s32 $0x180;
	[sflag:s19] =	ssyncadd.s32 $0xFFFFE000  }
.LBB2_4:
0x52: {  	[tilespmem:s23], [sflag:$0x2] =	stream.indirect.gather [spmem:s2], $0x40, s5, s22, $0xb8;
	[tilespmem:$0x1A240] =	vst v63  }
0x53: {  	s5 =	smov.u32 s4  }
0x54: {  	p0 =	sne.s32 s4, $0x4400;
	s4 =	sadd.s32 $0x400, s4;
	_ =	swait.ge [sflag:s24], $0x2000  }
0x55: {  	s5 =	sshra.s32 s5, $0x2;
	[sflag:s24] =	ssyncset.done $0x0  }
0x56: {  	s8 =	sadd.s32 $0x1400, s5;
	[sflag:s24] =	ssyncadd.s32 $0xFFFFE000  }
0x57: {  	[spmem:s3] =	stream.indirect.scatter.add.bf16 [tilespmem:s20], [sflag:$0x3], $0x40, s8, s22, $0xb8;
	[tilespmem:$0x1A240] =	vst v63  }
0x58: {  	_ =	swait.ge [sflag:s19], $0x2000  }
0x59: {  	[sflag:s19] =	ssyncset.done $0x0  }
0x5a: {  	s8 =	sadd.s32 $0x100, s5;
	[sflag:s19] =	ssyncadd.s32 $0xFFFFE000  }
0x5b: {  	[tilespmem:s20], [sflag:$0x1] =	stream.indirect.gather [spmem:s2], $0x40, s8, s22, $0xb8;
	[tilespmem:$0x1A240] =	vst v63  }
0x5c: {  	_ =	swait.ge [sflag:s25], $0x2000  }
0x5d: {  	[sflag:s25] =	ssyncset.done $0x0  }
.Ltmp1:
0x5e: {  	s8 =	sadd.s32 $0x1480, s5;
	[sflag:s25] =	ssyncadd.s32 $0xFFFFE000;
	(pc) =	sbr.rel @p0 .LBB2_4-.Ltmp1, $4  }
0x5f: {  	[spmem:s3] =	stream.indirect.scatter.add.bf16 [tilespmem:s23], [sflag:$0x3], $0x40, s8, s22, $0xb8;
	[tilespmem:$0x1A240] =	vst v63  }
0x60: {  	_ =	swait.ge [sflag:s19], $0x2000  }
0x61: {  	[sflag:s19] =	ssyncset.done $0x0  }
0x62: {  	s5 =	sadd.s32 $0x180, s5;
	[sflag:s19] =	ssyncadd.s32 $0xFFFFE000  }
0x63: {  	[tilespmem:s23], [sflag:$0x2] =	stream.indirect.gather [spmem:s2], $0x40, s5, s22, $0xb8;
	[tilespmem:$0x1A240] =	vst v63  }
0x64: {  	_ =	swait.ge [sflag:s24], $0x2000  }
0x65: {  	[sflag:s24] =	ssyncset.done $0x0  }
0x66: {  	[sflag:s24] =	ssyncadd.s32 $0xFFFFE000  }
0x67: {  	[spmem:s3] =	stream.indirect.scatter.add.bf16 [tilespmem:s20], [sflag:$0x3], $0x40, s26, s22, $0xb8;
	[tilespmem:$0x1A240] =	vst v63  }
0x68: {  	_ =	swait.ge [sflag:s19], $0x2000  }
0x69: {  	[sflag:s19] =	ssyncset.done $0x0  }
0x6a: {  	[sflag:s19] =	ssyncadd.s32 $0xFFFFE000  }
0x6b: {  	[tilespmem:s20], [sflag:$0x1] =	stream.indirect.gather [spmem:s2], $0x40, s28, s22, $0xb8;
	[tilespmem:$0x1A240] =	vst v63  }
0x6c: {  	_ =	swait.ge [sflag:s25], $0x2000  }
0x6d: {  	[sflag:s25] =	ssyncset.done $0x0  }
0x6e: {  	[sflag:s25] =	ssyncadd.s32 $0xFFFFE000  }
0x6f: {  	[spmem:s3] =	stream.indirect.scatter.add.bf16 [tilespmem:s23], [sflag:$0x3], $0x40, s29, s22, $0xb8;
	[tilespmem:$0x1A240] =	vst v63  }
0x70: {  	_ =	swait.ge [sflag:s19], $0x2000  }
0x71: {  	[sflag:s19] =	ssyncset.done $0x0  }
0x72: {  	[sflag:s19] =	ssyncadd.s32 $0xFFFFE000  }
0x73: {  	[tilespmem:s23], [sflag:$0x2] =	stream.indirect.gather [spmem:s2], $0x40, s30, s22, $0xb8;
	[tilespmem:$0x1A240] =	vst v63  }
0x74: {  	_ =	swait.ge [sflag:s24], $0x2000  }
0x75: {  	[sflag:s24] =	ssyncset.done $0x0  }
0x76: {  	[sflag:s24] =	ssyncadd.s32 $0xFFFFE000  }
0x77: {  	[spmem:s3] =	stream.indirect.scatter.add.bf16 [tilespmem:s20], [sflag:$0x3], $0x40, s31, s22, $0xb8;
	[tilespmem:$0x1A240] =	vst v63  }
0x78: {  	_ =	swait.ge [sflag:s19], $0x2000  }
0x79: {  	[sflag:s19] =	ssyncset.done $0x0  }
0x7a: {  	[sflag:s19] =	ssyncadd.s32 $0xFFFFE000  }
0x7b: {  	_ =	swait.ge [sflag:s25], $0x2000  }
0x7c: {  	[sflag:s25] =	ssyncset.done $0x0  }
0x7d: {  	[sflag:s25] =	ssyncadd.s32 $0xFFFFE000  }
0x7e: {  	[spmem:s3] =	stream.indirect.scatter.add.bf16 [tilespmem:s23], [sflag:$0x3], $0x40, s0, s22, $0xb8;
	[tilespmem:$0x1A240] =	vst v63  }
0x7f: {  	_ =	swait.ge [sflag:s19], $0x2000  }
0x80: {  	[sflag:s19] =	ssyncset.done $0x0  }
0x81: {  	s4 =	simm.s32 $0x0;
	[sflag:s19] =	ssyncadd.s32 $0xFFFFE000  }
0x82: {  	[tilespmem:s4], [sflag:$0x3] =	stream.linear.gather [hbm4b:s14+s4], $0x1400, $0x38;
	[tilespmem:$0x1A240] =	vst v63  }
0x83: {  	_ =	swait.ge [sflag:s19], $0x1400  }
0x84: {  	[sflag:s19] =	ssyncset.done $0x0  }
0x85: {  	[sflag:s19] =	ssyncadd.s32 $0xFFFFEC00  }
0x86: {  	[tilespmem:s21], [sflag:$0x3] =	stream.linear.gather [hbm4b:s15+s4], $0x1400, $0x38;
	[tilespmem:$0x1A240] =	vst v63  }
0x87: {  	_ =	swait.ge [sflag:s19], $0x1400  }
0x88: {  	[sflag:s19] =	ssyncset.done $0x0  }
0x89: {  	[sflag:s19] =	ssyncadd.s32 $0xFFFFEC00  }
0x8a: {  	[tilespmem:s20], [sflag:$0x1] =	stream.indirect.gather [spmem:s2], $0x40, s4, s22, $0xb8;
	[tilespmem:$0x1A240] =	vst v63  }
0x8b: {  	_ = 	snop  }
0x8c: {  	[tilespmem:s23], [sflag:$0x2] =	stream.indirect.gather [spmem:s2], $0x40, s22, s22, $0xb8;
	[tilespmem:$0x1A240] =	vst v63  }
0x8d: {  	_ =	swait.ge [sflag:s24], $0x2000  }
0x8e: {  	[sflag:s24] =	ssyncset.done $0x0  }
0x8f: {  	s8 =	simm.s32 $0x1400;
	[sflag:s24] =	ssyncadd.s32 $0xFFFFE000  }
0x90: {  	[spmem:s3] =	stream.indirect.scatter.add.bf16 [tilespmem:s20], [sflag:$0x3], $0x40, s8, s22, $0xb8;
	[tilespmem:$0x1A240] =	vst v63  }
0x91: {  	_ =	swait.ge [sflag:s19], $0x2000  }
0x92: {  	[sflag:s19] =	ssyncset.done $0x0  }
0x93: {  	s5 =	simm.s32 $0x100;
	[sflag:s19] =	ssyncadd.s32 $0xFFFFE000  }
0x94: {  	[tilespmem:s20], [sflag:$0x1] =	stream.indirect.gather [spmem:s2], $0x40, s5, s22, $0xb8;
	[tilespmem:$0x1A240] =	vst v63  }
0x95: {  	_ =	swait.ge [sflag:s25], $0x2000  }
0x96: {  	[sflag:s25] =	ssyncset.done $0x0  }
0x97: {  	s8 =	simm.s32 $0x1480;
	[sflag:s25] =	ssyncadd.s32 $0xFFFFE000  }
0x98: {  	[spmem:s3] =	stream.indirect.scatter.add.bf16 [tilespmem:s23], [sflag:$0x3], $0x40, s8, s22, $0xb8;
	[tilespmem:$0x1A240] =	vst v63  }
0x99: {  	_ =	swait.ge [sflag:s19], $0x2000  }
0x9a: {  	[sflag:s19] =	ssyncset.done $0x0  }
0x9b: {  	s4 =	simm.s32 $0x400;
	s5 =	simm.s32 $0x180;
	[sflag:s19] =	ssyncadd.s32 $0xFFFFE000  }
.LBB2_6:
0x9c: {  	[tilespmem:s23], [sflag:$0x2] =	stream.indirect.gather [spmem:s2], $0x40, s5, s22, $0xb8;
	[tilespmem:$0x1A240] =	vst v63  }
0x9d: {  	s5 =	smov.u32 s4  }
0x9e: {  	p0 =	sne.s32 s4, $0x4400;
	s4 =	sadd.s32 $0x400, s4;
	_ =	swait.ge [sflag:s24], $0x2000  }
0x9f: {  	s5 =	sshra.s32 s5, $0x2;
	[sflag:s24] =	ssyncset.done $0x0  }
0xa0: {  	s8 =	sadd.s32 $0x1400, s5;
	[sflag:s24] =	ssyncadd.s32 $0xFFFFE000  }
0xa1: {  	[spmem:s3] =	stream.indirect.scatter.add.bf16 [tilespmem:s20], [sflag:$0x3], $0x40, s8, s22, $0xb8;
	[tilespmem:$0x1A240] =	vst v63  }
0xa2: {  	_ =	swait.ge [sflag:s19], $0x2000  }
0xa3: {  	[sflag:s19] =	ssyncset.done $0x0  }
0xa4: {  	s8 =	sadd.s32 $0x100, s5;
	[sflag:s19] =	ssyncadd.s32 $0xFFFFE000  }
0xa5: {  	[tilespmem:s20], [sflag:$0x1] =	stream.indirect.gather [spmem:s2], $0x40, s8, s22, $0xb8;
	[tilespmem:$0x1A240] =	vst v63  }
0xa6: {  	_ =	swait.ge [sflag:s25], $0x2000  }
0xa7: {  	[sflag:s25] =	ssyncset.done $0x0  }
.Ltmp2:
0xa8: {  	s8 =	sadd.s32 $0x1480, s5;
	[sflag:s25] =	ssyncadd.s32 $0xFFFFE000;
	(pc) =	sbr.rel @p0 .LBB2_6-.Ltmp2, $4  }
0xa9: {  	[spmem:s3] =	stream.indirect.scatter.add.bf16 [tilespmem:s23], [sflag:$0x3], $0x40, s8, s22, $0xb8;
	[tilespmem:$0x1A240] =	vst v63  }
0xaa: {  	_ =	swait.ge [sflag:s19], $0x2000  }
0xab: {  	[sflag:s19] =	ssyncset.done $0x0  }
0xac: {  	s5 =	sadd.s32 $0x180, s5;
	[sflag:s19] =	ssyncadd.s32 $0xFFFFE000  }
0xad: {  	[tilespmem:s23], [sflag:$0x2] =	stream.indirect.gather [spmem:s2], $0x40, s5, s22, $0xb8;
	[tilespmem:$0x1A240] =	vst v63  }
0xae: {  	_ =	swait.ge [sflag:s24], $0x2000  }
0xaf: {  	[sflag:s24] =	ssyncset.done $0x0  }
0xb0: {  	[sflag:s24] =	ssyncadd.s32 $0xFFFFE000  }
0xb1: {  	[spmem:s3] =	stream.indirect.scatter.add.bf16 [tilespmem:s20], [sflag:$0x3], $0x40, s26, s22, $0xb8;
	[tilespmem:$0x1A240] =	vst v63  }
0xb2: {  	_ =	swait.ge [sflag:s19], $0x2000  }
0xb3: {  	[sflag:s19] =	ssyncset.done $0x0  }
0xb4: {  	[sflag:s19] =	ssyncadd.s32 $0xFFFFE000  }
0xb5: {  	[tilespmem:s20], [sflag:$0x1] =	stream.indirect.gather [spmem:s2], $0x40, s28, s22, $0xb8;
	[tilespmem:$0x1A240] =	vst v63  }
0xb6: {  	_ =	swait.ge [sflag:s25], $0x2000  }
0xb7: {  	[sflag:s25] =	ssyncset.done $0x0  }
0xb8: {  	[sflag:s25] =	ssyncadd.s32 $0xFFFFE000  }
0xb9: {  	[spmem:s3] =	stream.indirect.scatter.add.bf16 [tilespmem:s23], [sflag:$0x3], $0x40, s29, s22, $0xb8;
	[tilespmem:$0x1A240] =	vst v63  }
0xba: {  	_ =	swait.ge [sflag:s19], $0x2000  }
0xbb: {  	[sflag:s19] =	ssyncset.done $0x0  }
0xbc: {  	[sflag:s19] =	ssyncadd.s32 $0xFFFFE000  }
0xbd: {  	[tilespmem:s23], [sflag:$0x2] =	stream.indirect.gather [spmem:s2], $0x40, s30, s22, $0xb8;
	[tilespmem:$0x1A240] =	vst v63  }
0xbe: {  	_ =	swait.ge [sflag:s24], $0x2000  }
0xbf: {  	[sflag:s24] =	ssyncset.done $0x0  }
0xc0: {  	[sflag:s24] =	ssyncadd.s32 $0xFFFFE000  }
0xc1: {  	[spmem:s3] =	stream.indirect.scatter.add.bf16 [tilespmem:s20], [sflag:$0x3], $0x40, s31, s22, $0xb8;
	[tilespmem:$0x1A240] =	vst v63  }
0xc2: {  	_ =	swait.ge [sflag:s19], $0x2000  }
0xc3: {  	[sflag:s19] =	ssyncset.done $0x0  }
0xc4: {  	[sflag:s19] =	ssyncadd.s32 $0xFFFFE000  }
0xc5: {  	_ =	swait.ge [sflag:s25], $0x2000  }
0xc6: {  	[sflag:s25] =	ssyncset.done $0x0  }
0xc7: {  	[sflag:s25] =	ssyncadd.s32 $0xFFFFE000  }
0xc8: {  	[spmem:s3] =	stream.indirect.scatter.add.bf16 [tilespmem:s23], [sflag:$0x3], $0x40, s0, s22, $0xb8;
	[tilespmem:$0x1A240] =	vst v63  }
0xc9: {  	_ =	swait.ge [sflag:s19], $0x2000  }
0xca: {  	s1 =	sadd.s32 $0x1, s1;
	[sflag:s19] =	ssyncset.done $0x0  }
0xcb: {  	p0 =	sne.s32 s1, s17;
	[sflag:s19] =	ssyncadd.s32 $0xFFFFE000  }
.Ltmp3:
0xcc: {  	s4 =	sshrl.u32 s7, $0x3;
	[bflag:$0x0] =	sbarrier.arrive $0xFFFF;
	(pc) =	sbr.rel @p0 .LBB2_1-.Ltmp3, $4  }
0xcd: {  	[hbm:s16], [sflag:s6] =	dma.local [spmem:s4], $0x13C0  }
0xce: {  	_ =	swait.ge [sflag:s19], $0x13C0  }
0xcf: {  	[sflag:s19] =	ssyncset.done $0x0  }
0xd0: {  	[sflag:s19] =	ssyncadd.s32 $0xFFFFEC40  }
0xd1: {  	_ =	sfence.sel $0x180000  }
0xd2: {  	[bflag:$0x0] =	sbarrier.arrive $0xFFFF  }
0xd3: {  	_ =	strace $0x9000004A  }
0xd4: {  	s0 =	stileid.u32;
	[bflag:$0x2] =	sbarrier.arrive $0xFFFF  }
0xd5: {  	p0 =	sne.s32 s0, $0x0;
	s0 =	rddreg [dreg:$0x3]  }
0xd6: {  	s0 =	sadd.s32 @!p0 $0x100000, s0  }
0xd7: {  	[sflag:s0] =	ssyncadd.tile.s32 @!p0 $0x1;
	_ =	shalt  }
.Lfunc_end2:
_tile_overlayer_lowered:
.L_overlay_start_2:
0xd8: {  	(tag) =	ssettag $0x2  }
0xd9: {  	s0 =	rddreg [dreg:$0x0];
	s2 =	stileid.u32  }
0xda: {  	s1 =	rddreg [dreg:$0x1];
	p0 =	sne.s32 s2, $0x0  }
0xdb: {  	s3 =	rddreg [dreg:$0x2];
	[bflag:$0x3] =	sbarrier.arrive $0xFFFF;
	s2 =	simm.s32 @!p0 $0x1C03  }
0xdc: {  	[timem:s3], [sflag:s2] =	dma.local @!p0 [hbm:s0], s1  }
0xdd: {  	s0 =	simm.s32 @!p0 $0x3  }
0xde: {  	_ =	swait.ge @!p0 [sflag:s0], s1  }
0xdf: {  	s1 =	ssub.s32 @!p0 $0x0, s1;
	[sflag:s0] =	ssyncset.done @!p0 $0x0  }
0xe0: {  	[sflag:s0] =	ssyncadd.s32 @!p0 s1  }
0xe1: {  	[bflag:$0x3] =	sbarrier.arrive $0xFFFF  }
0xe2: {  	_ =	shalt  }

</sc_bundles>
